<compile_context>
chip_gen: v7x
topology: tpu7x:2x2x1
jax: 0.10.2.dev20260603
libtpu: 0.0.44.dev20260713+nightly
codegen_flags: <defaults>
</compile_context>

<pallas_src>
import jax
import jax.numpy as jnp
from jax import lax
from jax.experimental import pallas as pl
from jax.experimental.pallas import tpu as pltpu
from jax.experimental.pallas import tpu_sc as plsc

N = 10000
D = 128
E = 320000

NC = 2
NS = 16
NW = NC * NS
EPW = E // NW
CH = 125
NCHUNK = EPW // CH
HCHUNK = EPW // CH // 2
SLAB = 640
TAIL = N - 15 * SLAB
EPS = 1e-5


def _segsum_body(h_hbm, src_hbm, dst_hbm, zero_hbm, n0_hbm, n1_hbm,
                 acc, src_v, dst_v, buf_a, buf_b, sem_a, sem_b,
                 sem_sa, sem_sb):
    c = lax.axis_index("c")
    s = lax.axis_index("s")
    wid = c * NS + s

    @pl.when(s < 15)
    def _():
        pltpu.async_copy(zero_hbm.at[pl.ds(s * SLAB, SLAB)],
                         acc.at[pl.ds(s * SLAB, SLAB)], sem_sa)

    @pl.when(s == 15)
    def _():
        pltpu.async_copy(zero_hbm.at[pl.ds(15 * SLAB, TAIL)],
                         acc.at[pl.ds(15 * SLAB, TAIL)], sem_sa)

    pltpu.async_copy(src_hbm.at[wid, 0], src_v, sem_sb)
    pltpu.sync_copy(dst_hbm.at[wid, 0], dst_v)
    pltpu.make_async_copy(src_hbm.at[wid, 0], src_v, sem_sb).wait()

    pltpu.async_copy(h_hbm.at[src_v.at[0]], buf_a, sem_a)
    pltpu.async_copy(h_hbm.at[src_v.at[1]], buf_b, sem_b)

    @pl.when(s < 15)
    def _():
        pltpu.make_async_copy(zero_hbm.at[pl.ds(s * SLAB, SLAB)],
                              acc.at[pl.ds(s * SLAB, SLAB)], sem_sa).wait()

    @pl.when(s == 15)
    def _():
        pltpu.make_async_copy(zero_hbm.at[pl.ds(15 * SLAB, TAIL)],
                              acc.at[pl.ds(15 * SLAB, TAIL)], sem_sa).wait()

    plsc.subcore_barrier()

    def pair(i, carry):
        jj = 2 * i
        pltpu.make_async_copy(h_hbm.at[src_v.at[jj]], buf_a, sem_a).wait()
        pltpu.sync_copy(buf_a, acc.at[dst_v.at[jj]], add=True)

        @pl.when(jj + 2 < HCHUNK)
        def _():
            pltpu.async_copy(h_hbm.at[src_v.at[jj + 2]], buf_a, sem_a)

        pltpu.make_async_copy(h_hbm.at[src_v.at[jj + 1]], buf_b, sem_b).wait()
        pltpu.sync_copy(buf_b, acc.at[dst_v.at[jj + 1]], add=True)

        @pl.when(jj + 3 < HCHUNK)
        def _():
            pltpu.async_copy(h_hbm.at[src_v.at[jj + 3]], buf_b, sem_b)

        return carry

    lax.fori_loop(0, HCHUNK // 2, pair, 0)
    pltpu.async_copy(src_hbm.at[wid, 1], src_v, sem_sb)
    pltpu.sync_copy(dst_hbm.at[wid, 1], dst_v)
    pltpu.make_async_copy(src_hbm.at[wid, 1], src_v, sem_sb).wait()
    pltpu.async_copy(h_hbm.at[src_v.at[0]], buf_a, sem_a)
    pltpu.async_copy(h_hbm.at[src_v.at[1]], buf_b, sem_b)
    lax.fori_loop(0, HCHUNK // 2, pair, 0)
    plsc.subcore_barrier()

    sl_main = pl.ds(s * SLAB, SLAB)
    sl_tail = pl.ds(15 * SLAB, TAIL)

    @pl.when((c == 0) & (s < 15))
    def _():
        pltpu.sync_copy(acc.at[sl_main], n0_hbm.at[sl_main])

    @pl.when((c == 0) & (s == 15))
    def _():
        pltpu.sync_copy(acc.at[sl_tail], n0_hbm.at[sl_tail])

    @pl.when((c == 1) & (s < 15))
    def _():
        pltpu.sync_copy(acc.at[sl_main], n1_hbm.at[sl_main])

    @pl.when((c == 1) & (s == 15))
    def _():
        pltpu.sync_copy(acc.at[sl_tail], n1_hbm.at[sl_tail])


_segsum = pl.kernel(
    _segsum_body,
    out_type=(jax.ShapeDtypeStruct((N, D), jnp.float32),
              jax.ShapeDtypeStruct((N, D), jnp.float32)),
    mesh=plsc.VectorSubcoreMesh(core_axis_name="c", subcore_axis_name="s"),
    scratch_types=[
        pltpu.VMEM_SHARED((N, D), jnp.float32),
        pltpu.VMEM((HCHUNK, CH), jnp.int32),
        pltpu.VMEM((HCHUNK, CH), jnp.int32),
        pltpu.VMEM((CH, D), jnp.float32),
        pltpu.VMEM((CH, D), jnp.float32),
        pltpu.SemaphoreType.DMA,
        pltpu.SemaphoreType.DMA,
        pltpu.SemaphoreType.DMA,
        pltpu.SemaphoreType.DMA,
    ],
)


def _bn_relu(x, g, b):
    m = jnp.sum(x, axis=0, keepdims=True) * (1.0 / N)
    xc = x - m
    v = jnp.sum(xc * xc, axis=0, keepdims=True) * (1.0 / N)
    return jnp.maximum(g * xc / jnp.sqrt(v + EPS) + b, 0.0)


def _mlp(rst, W1, b1, g1, be1, W2, b2, ga, ba, go, bo):
    z = jnp.dot(rst, W1, preferred_element_type=jnp.float32) + b1
    z = _bn_relu(z, g1, be1)
    z = jnp.dot(z, W2, preferred_element_type=jnp.float32) + b2
    z = _bn_relu(z, ga, ba)
    return _bn_relu(z, go, bo)


def _layer0_body(h_ref, n0_ref, n1_ref,
                 W1_ref, b1_ref, g1_ref, be1_ref, W2_ref, b2_ref,
                 ga_ref, ba_ref, go_ref, bo_ref,
                 hout_ref, cs_ref):
    h = h_ref[...]
    cs_ref[...] = jnp.sum(h, axis=0, keepdims=True)
    rst = h + n0_ref[...] + n1_ref[...]
    h1 = _mlp(rst, W1_ref[...], b1_ref[...], g1_ref[...],
              be1_ref[...], W2_ref[...], b2_ref[...],
              ga_ref[...], ba_ref[...], go_ref[...], bo_ref[...])
    hout_ref[...] = h1


def _layer1_body(h_ref, n0_ref, n1_ref,
                 W1_ref, b1_ref, g1_ref, be1_ref, W2_ref, b2_ref,
                 ga_ref, ba_ref, go_ref, bo_ref,
                 cs0_ref, Wp0_ref, bp0_ref, Wp1_ref, bp1_ref, Wp2_ref, bp2_ref,
                 score_ref):
    h = h_ref[...]
    cs1 = jnp.sum(h, axis=0, keepdims=True)
    rst = h + n0_ref[...] + n1_ref[...]
    h2 = _mlp(rst, W1_ref[...], b1_ref[...], g1_ref[...], be1_ref[...],
              W2_ref[...], b2_ref[...], ga_ref[...], ba_ref[...],
              go_ref[...], bo_ref[...])
    cs2 = jnp.sum(h2, axis=0, keepdims=True)
    inv_n = 1.0 / N
    score = (jnp.sum(cs0_ref[...] * Wp0_ref[...], axis=1, keepdims=True) * inv_n
             + jnp.sum(cs1 * Wp1_ref[...], axis=1, keepdims=True) * inv_n
             + jnp.sum(cs2 * Wp2_ref[...], axis=1, keepdims=True) * inv_n
             + bp0_ref[...] + bp1_ref[...] + bp2_ref[...])
    score_ref[...] = score


_layer0 = pl.pallas_call(
    _layer0_body,
    out_shape=(jax.ShapeDtypeStruct((N, D), jnp.float32),
               jax.ShapeDtypeStruct((1, D), jnp.float32)),
)

_layer1 = pl.pallas_call(
    _layer1_body,
    out_shape=jax.ShapeDtypeStruct((1, 1), jnp.float32),
)


def kernel(h, edge_index,
           W1_0, b1_0, g1_0, be1_0, W2_0, b2_0, ga_0, ba_0, go_0, bo_0,
           W1_1, b1_1, g1_1, be1_1, W2_1, b2_1, ga_1, ba_1, go_1, bo_1,
           Wp_0, bp_0, Wp_1, bp_1, Wp_2, bp_2):
    ei = edge_index.astype(jnp.int32)
    src2d = ei[0].reshape(NW, 2, HCHUNK, CH)
    dst2d = ei[1].reshape(NW, 2, HCHUNK, CH)
    zeros = jnp.zeros((N, D), jnp.float32)

    r = lambda v: v.reshape(1, -1)

    n0, n1 = _segsum(h, src2d, dst2d, zeros)
    h1, cs0 = _layer0(h, n0, n1,
                      W1_0, r(b1_0), r(g1_0), r(be1_0), W2_0, r(b2_0),
                      r(ga_0), r(ba_0), r(go_0), r(bo_0))
    m0, m1 = _segsum(h1, src2d, dst2d, zeros)
    score = _layer1(h1, m0, m1,
                    W1_1, r(b1_1), r(g1_1), r(be1_1), W2_1, r(b2_1),
                    r(ga_1), r(ba_1), r(go_1), r(bo_1),
                    cs0, r(Wp_0), r(bp_0), r(Wp_1), r(bp_1), r(Wp_2), r(bp_2))
    return score

# --- scband reference (transcript-rebuilt; emitter-appended) ---
"""Pipeline reference for scband-gin-14053132992702 (READ-ONLY COPY).

The authoritative reference and input builder live on the scoring server;
editing this copy changes nothing except your own understanding.
"""

import jax, jax.numpy as jnp
import numpy as np

N = 10000
E = 320000
D = 128
HD = 128

def _bn(x, gamma, beta, eps=1e-5):
    mean = jnp.mean(x, axis=0, keepdims=True)
    var = jnp.var(x, axis=0, keepdims=True)
    return gamma * (x - mean) / jnp.sqrt(var + eps) + beta

def setup_inputs():
    keys = jax.random.split(jax.random.key(0), 64)
    inp = {}
    inp['h'] = jax.random.normal(keys[0], (N, D), dtype=jnp.float32)
    inp['edge_index'] = jax.random.randint(keys[1], (2, E), 0, N).astype(jnp.int64)
    k = 2
    for l in range(2):
        in_dim = D if l == 0 else HD
        inp['W1_%d' % l] = jax.random.normal(keys[k], (in_dim, HD), dtype=jnp.float32) * 0.05; k += 1
        inp['b1_%d' % l] = jnp.zeros((HD,), dtype=jnp.float32)
        inp['g1_%d' % l] = jnp.ones((HD,), dtype=jnp.float32)
        inp['be1_%d' % l] = jnp.zeros((HD,), dtype=jnp.float32)
        inp['W2_%d' % l] = jax.random.normal(keys[k], (HD, HD), dtype=jnp.float32) * 0.05; k += 1
        inp['b2_%d' % l] = jnp.zeros((HD,), dtype=jnp.float32)
        inp['ga_%d' % l] = jnp.ones((HD,), dtype=jnp.float32)
        inp['ba_%d' % l] = jnp.zeros((HD,), dtype=jnp.float32)
        inp['go_%d' % l] = jnp.ones((HD,), dtype=jnp.float32)
        inp['bo_%d' % l] = jnp.zeros((HD,), dtype=jnp.float32)
    for i in range(3):
        dim = D if i == 0 else HD
        inp['Wp_%d' % i] = jax.random.normal(keys[k], (dim, 1), dtype=jnp.float32) * 0.05; k += 1
        inp['bp_%d' % i] = jnp.zeros((1,), dtype=jnp.float32)
    return inp

def _forward(h, edge_index, params):
    src = edge_index[0]
    dst = edge_index[1]
    eps_gin = 0.0  # init_eps=0, learn_eps=False (buffer)
    hidden_rep = [h]
    for l in range(2):  # num_layers - 1 = 2 GINConv layers
        # GINConv: sum aggregation of source features over destination nodes
        neigh = jax.ops.segment_sum(h[src], dst, num_segments=h.shape[0])
        rst = (1.0 + eps_gin) * h + neigh
        # ApplyNodeFunc: MLP (2 layers: Linear -> BN -> ReLU -> Linear) then BN -> ReLU
        z = rst @ params['W1_%d' % l] + params['b1_%d' % l]
        z = jax.nn.relu(_bn(z, params['g1_%d' % l], params['be1_%d' % l]))
        z = z @ params['W2_%d' % l] + params['b2_%d' % l]
        z = jax.nn.relu(_bn(z, params['ga_%d' % l], params['ba_%d' % l]))
        # outer batch_norms[i] + relu
        h = jax.nn.relu(_bn(z, params['go_%d' % l], params['bo_%d' % l]))
        hidden_rep.append(h)
    # AvgPooling over a single graph + per-layer prediction heads (dropout p=0.0 is identity)
    score = jnp.zeros((1, 1), dtype=jnp.float32)
    for i, hh in enumerate(hidden_rep):
        pooled = jnp.mean(hh, axis=0, keepdims=True)
        score = score + pooled @ params['Wp_%d' % i] + params['bp_%d' % i]
    return score

def reference(h, edge_index,
              W1_0, b1_0, g1_0, be1_0, W2_0, b2_0, ga_0, ba_0, go_0, bo_0,
              W1_1, b1_1, g1_1, be1_1, W2_1, b2_1, ga_1, ba_1, go_1, bo_1,
              Wp_0, bp_0, Wp_1, bp_1, Wp_2, bp_2):
    params = {
        'W1_0': W1_0, 'b1_0': b1_0, 'g1_0': g1_0, 'be1_0': be1_0,
        'W2_0': W2_0, 'b2_0': b2_0, 'ga_0': ga_0, 'ba_0': ba_0,
        'go_0': go_0, 'bo_0': bo_0,
        'W1_1': W1_1, 'b1_1': b1_1, 'g1_1': g1_1, 'be1_1': be1_1,
        'W2_1': W2_1, 'b2_1': b2_1, 'ga_1': ga_1, 'ba_1': ba_1,
        'go_1': go_1, 'bo_1': bo_1,
        'Wp_0': Wp_0, 'bp_0': bp_0, 'Wp_1': Wp_1, 'bp_1': bp_1,
        'Wp_2': Wp_2, 'bp_2': bp_2,
    }
    return _forward(h, edge_index, params)

if __name__ == "__main__":
    import jax
    _d = setup_inputs()
    print(jax.jit(kernel)(*tuple(_d.values())))

</pallas_src>

<mosaic_0001>
#map = affine_map<(d0, d1) -> (0, 0)>
#map1 = affine_map<(d0, d1) -> (0, 0, 0, 0)>
module attributes {stable_mosaic.version = 14 : i64} {
  func.func @_segsum_body(%arg0: i32, %arg1: i32, %arg2: memref<10000x128xf32, #tpu.memory_space<hbm>>, %arg3: memref<32x2x40x125xi32, #tpu.memory_space<hbm>>, %arg4: memref<32x2x40x125xi32, #tpu.memory_space<hbm>>, %arg5: memref<10000x128xf32, #tpu.memory_space<hbm>>, %arg6: memref<10000x128xf32, #tpu.memory_space<hbm>>, %arg7: memref<10000x128xf32, #tpu.memory_space<hbm>>, %arg8: memref<10000x128xf32, #tpu.memory_space<vmem_shared>>, %arg9: memref<40x125xi32, #tpu.memory_space<vmem>>, %arg10: memref<40x125xi32, #tpu.memory_space<vmem>>, %arg11: memref<125x128xf32, #tpu.memory_space<vmem>>, %arg12: memref<125x128xf32, #tpu.memory_space<vmem>>, %arg13: memref<!tpu.dma_semaphore, #tpu.memory_space<semaphore_mem>>, %arg14: memref<!tpu.dma_semaphore, #tpu.memory_space<semaphore_mem>>, %arg15: memref<!tpu.dma_semaphore, #tpu.memory_space<semaphore_mem>>, %arg16: memref<!tpu.dma_semaphore, #tpu.memory_space<semaphore_mem>>) attributes {dimension_semantics = [#tpu.dimension_semantics<core_parallel>, #tpu.dimension_semantics<subcore_parallel>], iteration_bounds = array<i64: 2, 16>, scalar_prefetch = 0 : i64, scratch_operands = 9 : i64, tpu.core_type = #tpu.core_type<sc_vector_subcore>, window_params = [{transform_indices = #map}, {transform_indices = #map1}, {transform_indices = #map1}, {transform_indices = #map}, {transform_indices = #map}, {transform_indices = #map}]} {
    %mul3A = arith.constant 16 : i32
    %mul3A_0 = arith.muli %arg0, %mul3A : i32
    %add3A = arith.addi %mul3A_0, %arg1 : i32
    %lt3A = arith.constant 15 : i32
    %lt3A_1 = arith.cmpi slt, %arg1, %lt3A : i32
    %convert_element_type3A = arith.extui %lt3A_1 : i1 to i32
    %cond3A = arith.constant 0 : i32
    %cond3A_2 = arith.cmpi ne, %convert_element_type3A, %cond3A : i32
    scf.if %cond3A_2 {
      %mul3A_125 = arith.constant 640 : i32
      %mul3A_126 = arith.muli %arg1, %mul3A_125 : i32
      %mul3A_127 = arith.constant 640 : i32
      %mul3A_128 = arith.muli %arg1, %mul3A_127 : i32
      %dma_start3A_129 = arith.constant 0 : i32
      %dma_start3A_130 = tpu.memref_slice %arg8[%mul3A_128, %dma_start3A_129] : memref<10000x128xf32, #tpu.memory_space<vmem_shared>> -> memref<640x128xf32, #tpu.memory_space<vmem_shared>>
      %dma_start3A_131 = arith.constant 0 : i32
      %dma_start3A_132 = tpu.memref_slice %arg5[%mul3A_126, %dma_start3A_131] : memref<10000x128xf32, #tpu.memory_space<hbm>> -> memref<640x128xf32, #tpu.memory_space<hbm>>
      tpu.enqueue_dma source(%dma_start3A_132 : memref<640x128xf32, #tpu.memory_space<hbm>>) target(%dma_start3A_130 : memref<640x128xf32, #tpu.memory_space<vmem_shared>>) target_semaphore(%arg15 : memref<!tpu.dma_semaphore, #tpu.memory_space<semaphore_mem>>)
    } else {
    }
    %eq3A = arith.constant 15 : i32
    %eq3A_3 = arith.cmpi eq, %arg1, %eq3A : i32
    %convert_element_type3A_4 = arith.extui %eq3A_3 : i1 to i32
    %cond3A_5 = arith.constant 0 : i32
    %cond3A_6 = arith.cmpi ne, %convert_element_type3A_4, %cond3A_5 : i32
    scf.if %cond3A_6 {
      %dma_start3A_125 = arith.constant 9600 : i32
      %dma_start3A_126 = arith.constant 0 : i32
      %dma_start3A_127 = tpu.memref_slice %arg8[%dma_start3A_125, %dma_start3A_126] : memref<10000x128xf32, #tpu.memory_space<vmem_shared>> -> memref<400x128xf32, #tpu.memory_space<vmem_shared>>
      %dma_start3A_128 = arith.constant 9600 : i32
      %dma_start3A_129 = arith.constant 0 : i32
      %dma_start3A_130 = tpu.memref_slice %arg5[%dma_start3A_128, %dma_start3A_129] : memref<10000x128xf32, #tpu.memory_space<hbm>> -> memref<400x128xf32, #tpu.memory_space<hbm>>
      tpu.enqueue_dma source(%dma_start3A_130 : memref<400x128xf32, #tpu.memory_space<hbm>>) target(%dma_start3A_127 : memref<400x128xf32, #tpu.memory_space<vmem_shared>>) target_semaphore(%arg15 : memref<!tpu.dma_semaphore, #tpu.memory_space<semaphore_mem>>)
    } else {
    }
    %dma_start3A = arith.constant 0 : i32
    %dma_start3A_7 = arith.constant 0 : i32
    %dma_start3A_8 = arith.constant 0 : i32
    %dma_start3A_9 = tpu.memref_slice %arg3[%add3A, %dma_start3A, %dma_start3A_7, %dma_start3A_8] : memref<32x2x40x125xi32, #tpu.memory_space<hbm>> -> memref<1x1x40x125xi32, #tpu.memory_space<hbm>>
    %dma_start3A_10 = tpu.memref_squeeze %dma_start3A_9 : memref<1x1x40x125xi32, #tpu.memory_space<hbm>> -> memref<40x125xi32, #tpu.memory_space<hbm>>
    %dma_start3A_11 = arith.constant 0 : i32
    %dma_start3A_12 = arith.constant 0 : i32
    %dma_start3A_13 = tpu.memref_slice %arg3[%add3A, %dma_start3A, %dma_start3A_11, %dma_start3A_12] : memref<32x2x40x125xi32, #tpu.memory_space<hbm>> -> memref<1x1x40x125xi32, #tpu.memory_space<hbm>>
    %dma_start3A_14 = tpu.memref_squeeze %dma_start3A_13 : memref<1x1x40x125xi32, #tpu.memory_space<hbm>> -> memref<40x125xi32, #tpu.memory_space<hbm>>
    tpu.enqueue_dma source(%dma_start3A_14 : memref<40x125xi32, #tpu.memory_space<hbm>>) target(%arg9 : memref<40x125xi32, #tpu.memory_space<vmem>>) target_semaphore(%arg16 : memref<!tpu.dma_semaphore, #tpu.memory_space<semaphore_mem>>)
    %run_scoped3A = arith.constant 0 : i32
    "tpu.region"() ({
      %run_scoped3A_125 = tpu.sem_alloc : memref<!tpu.dma_semaphore, #tpu.memory_space<semaphore_mem>>
      %dma_start3A_126 = arith.constant 0 : i32
      %dma_start3A_127 = arith.constant 0 : i32
      %dma_start3A_128 = tpu.memref_slice %arg4[%add3A, %run_scoped3A, %dma_start3A_126, %dma_start3A_127] : memref<32x2x40x125xi32, #tpu.memory_space<hbm>> -> memref<1x1x40x125xi32, #tpu.memory_space<hbm>>
      %dma_start3A_129 = tpu.memref_squeeze %dma_start3A_128 : memref<1x1x40x125xi32, #tpu.memory_space<hbm>> -> memref<40x125xi32, #tpu.memory_space<hbm>>
      %dma_start3A_130 = arith.constant 0 : i32
      %dma_start3A_131 = arith.constant 0 : i32
      %dma_start3A_132 = tpu.memref_slice %arg4[%add3A, %run_scoped3A, %dma_start3A_130, %dma_start3A_131] : memref<32x2x40x125xi32, #tpu.memory_space<hbm>> -> memref<1x1x40x125xi32, #tpu.memory_space<hbm>>
      %dma_start3A_133 = tpu.memref_squeeze %dma_start3A_132 : memref<1x1x40x125xi32, #tpu.memory_space<hbm>> -> memref<40x125xi32, #tpu.memory_space<hbm>>
      tpu.enqueue_dma source(%dma_start3A_133 : memref<40x125xi32, #tpu.memory_space<hbm>>) target(%arg10 : memref<40x125xi32, #tpu.memory_space<vmem>>) target_semaphore(%run_scoped3A_125 : memref<!tpu.dma_semaphore, #tpu.memory_space<semaphore_mem>>)
      %dma_wait3A_134 = arith.constant 0 : i32
      %dma_wait3A_135 = arith.constant 0 : i32
      %dma_wait3A_136 = tpu.memref_slice %arg4[%add3A, %run_scoped3A, %dma_wait3A_134, %dma_wait3A_135] : memref<32x2x40x125xi32, #tpu.memory_space<hbm>> -> memref<1x1x40x125xi32, #tpu.memory_space<hbm>>
      %dma_wait3A_137 = tpu.memref_squeeze %dma_wait3A_136 : memref<1x1x40x125xi32, #tpu.memory_space<hbm>> -> memref<40x125xi32, #tpu.memory_space<hbm>>
      %dma_wait3A_138 = arith.constant 0 : i32
      %dma_wait3A_139 = arith.constant 0 : i32
      %dma_wait3A_140 = tpu.memref_slice %arg4[%add3A, %run_scoped3A, %dma_wait3A_138, %dma_wait3A_139] : memref<32x2x40x125xi32, #tpu.memory_space<hbm>> -> memref<1x1x40x125xi32, #tpu.memory_space<hbm>>
      %dma_wait3A_141 = tpu.memref_squeeze %dma_wait3A_140 : memref<1x1x40x125xi32, #tpu.memory_space<hbm>> -> memref<40x125xi32, #tpu.memory_space<hbm>>
      tpu.wait_dma2 semaphore(%run_scoped3A_125 : memref<!tpu.dma_semaphore, #tpu.memory_space<semaphore_mem>>) src(%dma_wait3A_141 : memref<40x125xi32, #tpu.memory_space<hbm>>) dst(%arg10 : memref<40x125xi32, #tpu.memory_space<vmem>>)
      tpu.yield
    }) : () -> ()
    %dma_wait3A = arith.constant 0 : i32
    %dma_wait3A_15 = arith.constant 0 : i32
    %dma_wait3A_16 = arith.constant 0 : i32
    %dma_wait3A_17 = tpu.memref_slice %arg3[%add3A, %dma_wait3A, %dma_wait3A_15, %dma_wait3A_16] : memref<32x2x40x125xi32, #tpu.memory_space<hbm>> -> memref<1x1x40x125xi32, #tpu.memory_space<hbm>>
    %dma_wait3A_18 = tpu.memref_squeeze %dma_wait3A_17 : memref<1x1x40x125xi32, #tpu.memory_space<hbm>> -> memref<40x125xi32, #tpu.memory_space<hbm>>
    %dma_wait3A_19 = arith.constant 0 : i32
    %dma_wait3A_20 = arith.constant 0 : i32
    %dma_wait3A_21 = tpu.memref_slice %arg3[%add3A, %dma_wait3A, %dma_wait3A_19, %dma_wait3A_20] : memref<32x2x40x125xi32, #tpu.memory_space<hbm>> -> memref<1x1x40x125xi32, #tpu.memory_space<hbm>>
    %dma_wait3A_22 = tpu.memref_squeeze %dma_wait3A_21 : memref<1x1x40x125xi32, #tpu.memory_space<hbm>> -> memref<40x125xi32, #tpu.memory_space<hbm>>
    tpu.wait_dma2 semaphore(%arg16 : memref<!tpu.dma_semaphore, #tpu.memory_space<semaphore_mem>>) src(%dma_wait3A_22 : memref<40x125xi32, #tpu.memory_space<hbm>>) dst(%arg9 : memref<40x125xi32, #tpu.memory_space<vmem>>)
    %dma_start3A_23 = arith.constant 0 : i32
    %dma_start3A_24 = arith.constant 0 : i32
    %dma_start3A_25 = tpu.memref_slice %arg9[%dma_start3A_23, %dma_start3A_24] : memref<40x125xi32, #tpu.memory_space<vmem>> -> memref<1x125xi32, #tpu.memory_space<vmem>>
    %dma_start3A_26 = tpu.memref_squeeze %dma_start3A_25 : memref<1x125xi32, #tpu.memory_space<vmem>> -> memref<125xi32, #tpu.memory_space<vmem>>
    %dma_start3A_27 = arith.constant 0 : i32
    %dma_start3A_28 = arith.constant 0 : i32
    %dma_start3A_29 = tpu.memref_slice %arg2[%dma_start3A_27, %dma_start3A_28] : memref<10000x128xf32, #tpu.memory_space<hbm>> -> memref<10000x128xf32, #tpu.memory_space<hbm>>
    tpu.enqueue_indirect_dma source(%dma_start3A_29 : memref<10000x128xf32, #tpu.memory_space<hbm>>) target(%arg11 : memref<125x128xf32, #tpu.memory_space<vmem>>) offsets(%dma_start3A_26 : memref<125xi32, #tpu.memory_space<vmem>>) semaphore(%arg13 : memref<!tpu.dma_semaphore, #tpu.memory_space<semaphore_mem>>)
    %dma_start3A_30 = arith.constant 1 : i32
    %dma_start3A_31 = arith.constant 0 : i32
    %dma_start3A_32 = tpu.memref_slice %arg9[%dma_start3A_30, %dma_start3A_31] : memref<40x125xi32, #tpu.memory_space<vmem>> -> memref<1x125xi32, #tpu.memory_space<vmem>>
    %dma_start3A_33 = tpu.memref_squeeze %dma_start3A_32 : memref<1x125xi32, #tpu.memory_space<vmem>> -> memref<125xi32, #tpu.memory_space<vmem>>
    %dma_start3A_34 = arith.constant 0 : i32
    %dma_start3A_35 = arith.constant 0 : i32
    %dma_start3A_36 = tpu.memref_slice %arg2[%dma_start3A_34, %dma_start3A_35] : memref<10000x128xf32, #tpu.memory_space<hbm>> -> memref<10000x128xf32, #tpu.memory_space<hbm>>
    tpu.enqueue_indirect_dma source(%dma_start3A_36 : memref<10000x128xf32, #tpu.memory_space<hbm>>) target(%arg12 : memref<125x128xf32, #tpu.memory_space<vmem>>) offsets(%dma_start3A_33 : memref<125xi32, #tpu.memory_space<vmem>>) semaphore(%arg14 : memref<!tpu.dma_semaphore, #tpu.memory_space<semaphore_mem>>)
    %lt3A_37 = arith.constant 15 : i32
    %lt3A_38 = arith.cmpi slt, %arg1, %lt3A_37 : i32
    %convert_element_type3A_39 = arith.extui %lt3A_38 : i1 to i32
    %cond3A_40 = arith.constant 0 : i32
    %cond3A_41 = arith.cmpi ne, %convert_element_type3A_39, %cond3A_40 : i32
    scf.if %cond3A_41 {
      %mul3A_125 = arith.constant 640 : i32
      %mul3A_126 = arith.muli %arg1, %mul3A_125 : i32
      %mul3A_127 = arith.constant 640 : i32
      %mul3A_128 = arith.muli %arg1, %mul3A_127 : i32
      %dma_wait3A_129 = arith.constant 0 : i32
      %dma_wait3A_130 = tpu.memref_slice %arg8[%mul3A_128, %dma_wait3A_129] : memref<10000x128xf32, #tpu.memory_space<vmem_shared>> -> memref<640x128xf32, #tpu.memory_space<vmem_shared>>
      %dma_wait3A_131 = arith.constant 0 : i32
      %dma_wait3A_132 = tpu.memref_slice %arg5[%mul3A_126, %dma_wait3A_131] : memref<10000x128xf32, #tpu.memory_space<hbm>> -> memref<640x128xf32, #tpu.memory_space<hbm>>
      tpu.wait_dma2 semaphore(%arg15 : memref<!tpu.dma_semaphore, #tpu.memory_space<semaphore_mem>>) src(%dma_wait3A_132 : memref<640x128xf32, #tpu.memory_space<hbm>>) dst(%dma_wait3A_130 : memref<640x128xf32, #tpu.memory_space<vmem_shared>>)
    } else {
    }
    %eq3A_42 = arith.constant 15 : i32
    %eq3A_43 = arith.cmpi eq, %arg1, %eq3A_42 : i32
    %convert_element_type3A_44 = arith.extui %eq3A_43 : i1 to i32
    %cond3A_45 = arith.constant 0 : i32
    %cond3A_46 = arith.cmpi ne, %convert_element_type3A_44, %cond3A_45 : i32
    scf.if %cond3A_46 {
      %dma_wait3A_125 = arith.constant 9600 : i32
      %dma_wait3A_126 = arith.constant 0 : i32
      %dma_wait3A_127 = tpu.memref_slice %arg8[%dma_wait3A_125, %dma_wait3A_126] : memref<10000x128xf32, #tpu.memory_space<vmem_shared>> -> memref<400x128xf32, #tpu.memory_space<vmem_shared>>
      %dma_wait3A_128 = arith.constant 9600 : i32
      %dma_wait3A_129 = arith.constant 0 : i32
      %dma_wait3A_130 = tpu.memref_slice %arg5[%dma_wait3A_128, %dma_wait3A_129] : memref<10000x128xf32, #tpu.memory_space<hbm>> -> memref<400x128xf32, #tpu.memory_space<hbm>>
      tpu.wait_dma2 semaphore(%arg15 : memref<!tpu.dma_semaphore, #tpu.memory_space<semaphore_mem>>) src(%dma_wait3A_130 : memref<400x128xf32, #tpu.memory_space<hbm>>) dst(%dma_wait3A_127 : memref<400x128xf32, #tpu.memory_space<vmem_shared>>)
    } else {
    }
    %barrier3A = arith.constant 0 : index
    tpu.barrier barrier_id(%barrier3A)
    %scan3A = arith.constant 0 : i32
    %scan3A_47 = arith.constant 0 : i32
    %scan3A_48 = arith.constant 20 : i32
    %scan3A_49 = arith.addi %scan3A_47, %scan3A_48 : i32
    %scan3A_50 = arith.constant 1 : i32
    scf.for %scan3A_125 = %scan3A_47 to %scan3A_49 step %scan3A_50  : i32 {
      %mul3A_126 = arith.constant 2 : i32
      %mul3A_127 = arith.muli %mul3A_126, %scan3A_125 : i32
      %dma_wait3A_128 = arith.constant 0 : i32
      %dma_wait3A_129 = tpu.memref_slice %arg9[%mul3A_127, %dma_wait3A_128] : memref<40x125xi32, #tpu.memory_space<vmem>> -> memref<1x125xi32, #tpu.memory_space<vmem>>
      %dma_wait3A_130 = tpu.memref_squeeze %dma_wait3A_129 : memref<1x125xi32, #tpu.memory_space<vmem>> -> memref<125xi32, #tpu.memory_space<vmem>>
      %dma_wait3A_131 = arith.constant 0 : i32
      %dma_wait3A_132 = arith.constant 0 : i32
      %dma_wait3A_133 = tpu.memref_slice %arg2[%dma_wait3A_131, %dma_wait3A_132] : memref<10000x128xf32, #tpu.memory_space<hbm>> -> memref<10000x128xf32, #tpu.memory_space<hbm>>
      tpu.wait_indirect_dma semaphore(%arg13 : memref<!tpu.dma_semaphore, #tpu.memory_space<semaphore_mem>>) src(%dma_wait3A_133 : memref<10000x128xf32, #tpu.memory_space<hbm>>) dst(%arg11 : memref<125x128xf32, #tpu.memory_space<vmem>>)
      "tpu.region"() ({
        %run_scoped3A_158 = tpu.sem_alloc : memref<!tpu.dma_semaphore, #tpu.memory_space<semaphore_mem>>
        %dma_start3A_159 = arith.constant 0 : i32
        %dma_start3A_160 = tpu.memref_slice %arg10[%mul3A_127, %dma_start3A_159] : memref<40x125xi32, #tpu.memory_space<vmem>> -> memref<1x125xi32, #tpu.memory_space<vmem>>
        %dma_start3A_161 = tpu.memref_squeeze %dma_start3A_160 : memref<1x125xi32, #tpu.memory_space<vmem>> -> memref<125xi32, #tpu.memory_space<vmem>>
        %dma_start3A_162 = arith.constant 0 : i32
        %dma_start3A_163 = arith.constant 0 : i32
        %dma_start3A_164 = tpu.memref_slice %arg8[%dma_start3A_162, %dma_start3A_163] : memref<10000x128xf32, #tpu.memory_space<vmem_shared>> -> memref<10000x128xf32, #tpu.memory_space<vmem_shared>>
        tpu.enqueue_indirect_dma source(%arg11 : memref<125x128xf32, #tpu.memory_space<vmem>>) target(%dma_start3A_164 : memref<10000x128xf32, #tpu.memory_space<vmem_shared>>) offsets(%dma_start3A_161 : memref<125xi32, #tpu.memory_space<vmem>>) semaphore(%run_scoped3A_158 : memref<!tpu.dma_semaphore, #tpu.memory_space<semaphore_mem>>) {add = true}
        %dma_wait3A_165 = arith.constant 0 : i32
        %dma_wait3A_166 = tpu.memref_slice %arg10[%mul3A_127, %dma_wait3A_165] : memref<40x125xi32, #tpu.memory_space<vmem>> -> memref<1x125xi32, #tpu.memory_space<vmem>>
        %dma_wait3A_167 = tpu.memref_squeeze %dma_wait3A_166 : memref<1x125xi32, #tpu.memory_space<vmem>> -> memref<125xi32, #tpu.memory_space<vmem>>
        %dma_wait3A_168 = arith.constant 0 : i32
        %dma_wait3A_169 = arith.constant 0 : i32
        %dma_wait3A_170 = tpu.memref_slice %arg8[%dma_wait3A_168, %dma_wait3A_169] : memref<10000x128xf32, #tpu.memory_space<vmem_shared>> -> memref<10000x128xf32, #tpu.memory_space<vmem_shared>>
        tpu.wait_indirect_dma semaphore(%run_scoped3A_158 : memref<!tpu.dma_semaphore, #tpu.memory_space<semaphore_mem>>) src(%arg11 : memref<125x128xf32, #tpu.memory_space<vmem>>) dst(%dma_wait3A_170 : memref<10000x128xf32, #tpu.memory_space<vmem_shared>>)
        tpu.yield
      }) : () -> ()
      %add3A_134 = arith.constant 2 : i32
      %add3A_135 = arith.addi %mul3A_127, %add3A_134 : i32
      %lt3A_136 = arith.constant 40 : i32
      %lt3A_137 = arith.cmpi slt, %add3A_135, %lt3A_136 : i32
      %convert_element_type3A_138 = arith.extui %lt3A_137 : i1 to i32
      %cond3A_139 = arith.constant 0 : i32
      %cond3A_140 = arith.cmpi ne, %convert_element_type3A_138, %cond3A_139 : i32
      scf.if %cond3A_140 {
        %add3A_158 = arith.constant 2 : i32
        %add3A_159 = arith.addi %mul3A_127, %add3A_158 : i32
        %dma_start3A_160 = arith.constant 0 : i32
        %dma_start3A_161 = tpu.memref_slice %arg9[%add3A_159, %dma_start3A_160] : memref<40x125xi32, #tpu.memory_space<vmem>> -> memref<1x125xi32, #tpu.memory_space<vmem>>
        %dma_start3A_162 = tpu.memref_squeeze %dma_start3A_161 : memref<1x125xi32, #tpu.memory_space<vmem>> -> memref<125xi32, #tpu.memory_space<vmem>>
        %dma_start3A_163 = arith.constant 0 : i32
        %dma_start3A_164 = arith.constant 0 : i32
        %dma_start3A_165 = tpu.memref_slice %arg2[%dma_start3A_163, %dma_start3A_164] : memref<10000x128xf32, #tpu.memory_space<hbm>> -> memref<10000x128xf32, #tpu.memory_space<hbm>>
        tpu.enqueue_indirect_dma source(%dma_start3A_165 : memref<10000x128xf32, #tpu.memory_space<hbm>>) target(%arg11 : memref<125x128xf32, #tpu.memory_space<vmem>>) offsets(%dma_start3A_162 : memref<125xi32, #tpu.memory_space<vmem>>) semaphore(%arg13 : memref<!tpu.dma_semaphore, #tpu.memory_space<semaphore_mem>>)
      } else {
      }
      %add3A_141 = arith.constant 1 : i32
      %add3A_142 = arith.addi %mul3A_127, %add3A_141 : i32
      %dma_wait3A_143 = arith.constant 0 : i32
      %dma_wait3A_144 = tpu.memref_slice %arg9[%add3A_142, %dma_wait3A_143] : memref<40x125xi32, #tpu.memory_space<vmem>> -> memref<1x125xi32, #tpu.memory_space<vmem>>
      %dma_wait3A_145 = tpu.memref_squeeze %dma_wait3A_144 : memref<1x125xi32, #tpu.memory_space<vmem>> -> memref<125xi32, #tpu.memory_space<vmem>>
      %dma_wait3A_146 = arith.constant 0 : i32
      %dma_wait3A_147 = arith.constant 0 : i32
      %dma_wait3A_148 = tpu.memref_slice %arg2[%dma_wait3A_146, %dma_wait3A_147] : memref<10000x128xf32, #tpu.memory_space<hbm>> -> memref<10000x128xf32, #tpu.memory_space<hbm>>
      tpu.wait_indirect_dma semaphore(%arg14 : memref<!tpu.dma_semaphore, #tpu.memory_space<semaphore_mem>>) src(%dma_wait3A_148 : memref<10000x128xf32, #tpu.memory_space<hbm>>) dst(%arg12 : memref<125x128xf32, #tpu.memory_space<vmem>>)
      %add3A_149 = arith.constant 1 : i32
      %add3A_150 = arith.addi %mul3A_127, %add3A_149 : i32
      "tpu.region"() ({
        %run_scoped3A_158 = tpu.sem_alloc : memref<!tpu.dma_semaphore, #tpu.memory_space<semaphore_mem>>
        %dma_start3A_159 = arith.constant 0 : i32
        %dma_start3A_160 = tpu.memref_slice %arg10[%add3A_150, %dma_start3A_159] : memref<40x125xi32, #tpu.memory_space<vmem>> -> memref<1x125xi32, #tpu.memory_space<vmem>>
        %dma_start3A_161 = tpu.memref_squeeze %dma_start3A_160 : memref<1x125xi32, #tpu.memory_space<vmem>> -> memref<125xi32, #tpu.memory_space<vmem>>
        %dma_start3A_162 = arith.constant 0 : i32
        %dma_start3A_163 = arith.constant 0 : i32
        %dma_start3A_164 = tpu.memref_slice %arg8[%dma_start3A_162, %dma_start3A_163] : memref<10000x128xf32, #tpu.memory_space<vmem_shared>> -> memref<10000x128xf32, #tpu.memory_space<vmem_shared>>
        tpu.enqueue_indirect_dma source(%arg12 : memref<125x128xf32, #tpu.memory_space<vmem>>) target(%dma_start3A_164 : memref<10000x128xf32, #tpu.memory_space<vmem_shared>>) offsets(%dma_start3A_161 : memref<125xi32, #tpu.memory_space<vmem>>) semaphore(%run_scoped3A_158 : memref<!tpu.dma_semaphore, #tpu.memory_space<semaphore_mem>>) {add = true}
        %dma_wait3A_165 = arith.constant 0 : i32
        %dma_wait3A_166 = tpu.memref_slice %arg10[%add3A_150, %dma_wait3A_165] : memref<40x125xi32, #tpu.memory_space<vmem>> -> memref<1x125xi32, #tpu.memory_space<vmem>>
        %dma_wait3A_167 = tpu.memref_squeeze %dma_wait3A_166 : memref<1x125xi32, #tpu.memory_space<vmem>> -> memref<125xi32, #tpu.memory_space<vmem>>
        %dma_wait3A_168 = arith.constant 0 : i32
        %dma_wait3A_169 = arith.constant 0 : i32
        %dma_wait3A_170 = tpu.memref_slice %arg8[%dma_wait3A_168, %dma_wait3A_169] : memref<10000x128xf32, #tpu.memory_space<vmem_shared>> -> memref<10000x128xf32, #tpu.memory_space<vmem_shared>>
        tpu.wait_indirect_dma semaphore(%run_scoped3A_158 : memref<!tpu.dma_semaphore, #tpu.memory_space<semaphore_mem>>) src(%arg12 : memref<125x128xf32, #tpu.memory_space<vmem>>) dst(%dma_wait3A_170 : memref<10000x128xf32, #tpu.memory_space<vmem_shared>>)
        tpu.yield
      }) : () -> ()
      %add3A_151 = arith.constant 3 : i32
      %add3A_152 = arith.addi %mul3A_127, %add3A_151 : i32
      %lt3A_153 = arith.constant 40 : i32
      %lt3A_154 = arith.cmpi slt, %add3A_152, %lt3A_153 : i32
      %convert_element_type3A_155 = arith.extui %lt3A_154 : i1 to i32
      %cond3A_156 = arith.constant 0 : i32
      %cond3A_157 = arith.cmpi ne, %convert_element_type3A_155, %cond3A_156 : i32
      scf.if %cond3A_157 {
        %add3A_158 = arith.constant 3 : i32
        %add3A_159 = arith.addi %mul3A_127, %add3A_158 : i32
        %dma_start3A_160 = arith.constant 0 : i32
        %dma_start3A_161 = tpu.memref_slice %arg9[%add3A_159, %dma_start3A_160] : memref<40x125xi32, #tpu.memory_space<vmem>> -> memref<1x125xi32, #tpu.memory_space<vmem>>
        %dma_start3A_162 = tpu.memref_squeeze %dma_start3A_161 : memref<1x125xi32, #tpu.memory_space<vmem>> -> memref<125xi32, #tpu.memory_space<vmem>>
        %dma_start3A_163 = arith.constant 0 : i32
        %dma_start3A_164 = arith.constant 0 : i32
        %dma_start3A_165 = tpu.memref_slice %arg2[%dma_start3A_163, %dma_start3A_164] : memref<10000x128xf32, #tpu.memory_space<hbm>> -> memref<10000x128xf32, #tpu.memory_space<hbm>>
        tpu.enqueue_indirect_dma source(%dma_start3A_165 : memref<10000x128xf32, #tpu.memory_space<hbm>>) target(%arg12 : memref<125x128xf32, #tpu.memory_space<vmem>>) offsets(%dma_start3A_162 : memref<125xi32, #tpu.memory_space<vmem>>) semaphore(%arg14 : memref<!tpu.dma_semaphore, #tpu.memory_space<semaphore_mem>>)
      } else {
      }
    }
    %scan3A_51 = arith.constant 20 : i32
    %dma_start3A_52 = arith.constant 1 : i32
    %dma_start3A_53 = arith.constant 0 : i32
    %dma_start3A_54 = arith.constant 0 : i32
    %dma_start3A_55 = tpu.memref_slice %arg3[%add3A, %dma_start3A_52, %dma_start3A_53, %dma_start3A_54] : memref<32x2x40x125xi32, #tpu.memory_space<hbm>> -> memref<1x1x40x125xi32, #tpu.memory_space<hbm>>
    %dma_start3A_56 = tpu.memref_squeeze %dma_start3A_55 : memref<1x1x40x125xi32, #tpu.memory_space<hbm>> -> memref<40x125xi32, #tpu.memory_space<hbm>>
    %dma_start3A_57 = arith.constant 0 : i32
    %dma_start3A_58 = arith.constant 0 : i32
    %dma_start3A_59 = tpu.memref_slice %arg3[%add3A, %dma_start3A_52, %dma_start3A_57, %dma_start3A_58] : memref<32x2x40x125xi32, #tpu.memory_space<hbm>> -> memref<1x1x40x125xi32, #tpu.memory_space<hbm>>
    %dma_start3A_60 = tpu.memref_squeeze %dma_start3A_59 : memref<1x1x40x125xi32, #tpu.memory_space<hbm>> -> memref<40x125xi32, #tpu.memory_space<hbm>>
    tpu.enqueue_dma source(%dma_start3A_60 : memref<40x125xi32, #tpu.memory_space<hbm>>) target(%arg9 : memref<40x125xi32, #tpu.memory_space<vmem>>) target_semaphore(%arg16 : memref<!tpu.dma_semaphore, #tpu.memory_space<semaphore_mem>>)
    %run_scoped3A_61 = arith.constant 1 : i32
    "tpu.region"() ({
      %run_scoped3A_125 = tpu.sem_alloc : memref<!tpu.dma_semaphore, #tpu.memory_space<semaphore_mem>>
      %dma_start3A_126 = arith.constant 0 : i32
      %dma_start3A_127 = arith.constant 0 : i32
      %dma_start3A_128 = tpu.memref_slice %arg4[%add3A, %run_scoped3A_61, %dma_start3A_126, %dma_start3A_127] : memref<32x2x40x125xi32, #tpu.memory_space<hbm>> -> memref<1x1x40x125xi32, #tpu.memory_space<hbm>>
      %dma_start3A_129 = tpu.memref_squeeze %dma_start3A_128 : memref<1x1x40x125xi32, #tpu.memory_space<hbm>> -> memref<40x125xi32, #tpu.memory_space<hbm>>
      %dma_start3A_130 = arith.constant 0 : i32
      %dma_start3A_131 = arith.constant 0 : i32
      %dma_start3A_132 = tpu.memref_slice %arg4[%add3A, %run_scoped3A_61, %dma_start3A_130, %dma_start3A_131] : memref<32x2x40x125xi32, #tpu.memory_space<hbm>> -> memref<1x1x40x125xi32, #tpu.memory_space<hbm>>
      %dma_start3A_133 = tpu.memref_squeeze %dma_start3A_132 : memref<1x1x40x125xi32, #tpu.memory_space<hbm>> -> memref<40x125xi32, #tpu.memory_space<hbm>>
      tpu.enqueue_dma source(%dma_start3A_133 : memref<40x125xi32, #tpu.memory_space<hbm>>) target(%arg10 : memref<40x125xi32, #tpu.memory_space<vmem>>) target_semaphore(%run_scoped3A_125 : memref<!tpu.dma_semaphore, #tpu.memory_space<semaphore_mem>>)
      %dma_wait3A_134 = arith.constant 0 : i32
      %dma_wait3A_135 = arith.constant 0 : i32
      %dma_wait3A_136 = tpu.memref_slice %arg4[%add3A, %run_scoped3A_61, %dma_wait3A_134, %dma_wait3A_135] : memref<32x2x40x125xi32, #tpu.memory_space<hbm>> -> memref<1x1x40x125xi32, #tpu.memory_space<hbm>>
      %dma_wait3A_137 = tpu.memref_squeeze %dma_wait3A_136 : memref<1x1x40x125xi32, #tpu.memory_space<hbm>> -> memref<40x125xi32, #tpu.memory_space<hbm>>
      %dma_wait3A_138 = arith.constant 0 : i32
      %dma_wait3A_139 = arith.constant 0 : i32
      %dma_wait3A_140 = tpu.memref_slice %arg4[%add3A, %run_scoped3A_61, %dma_wait3A_138, %dma_wait3A_139] : memref<32x2x40x125xi32, #tpu.memory_space<hbm>> -> memref<1x1x40x125xi32, #tpu.memory_space<hbm>>
      %dma_wait3A_141 = tpu.memref_squeeze %dma_wait3A_140 : memref<1x1x40x125xi32, #tpu.memory_space<hbm>> -> memref<40x125xi32, #tpu.memory_space<hbm>>
      tpu.wait_dma2 semaphore(%run_scoped3A_125 : memref<!tpu.dma_semaphore, #tpu.memory_space<semaphore_mem>>) src(%dma_wait3A_141 : memref<40x125xi32, #tpu.memory_space<hbm>>) dst(%arg10 : memref<40x125xi32, #tpu.memory_space<vmem>>)
      tpu.yield
    }) : () -> ()
    %dma_wait3A_62 = arith.constant 1 : i32
    %dma_wait3A_63 = arith.constant 0 : i32
    %dma_wait3A_64 = arith.constant 0 : i32
    %dma_wait3A_65 = tpu.memref_slice %arg3[%add3A, %dma_wait3A_62, %dma_wait3A_63, %dma_wait3A_64] : memref<32x2x40x125xi32, #tpu.memory_space<hbm>> -> memref<1x1x40x125xi32, #tpu.memory_space<hbm>>
    %dma_wait3A_66 = tpu.memref_squeeze %dma_wait3A_65 : memref<1x1x40x125xi32, #tpu.memory_space<hbm>> -> memref<40x125xi32, #tpu.memory_space<hbm>>
    %dma_wait3A_67 = arith.constant 0 : i32
    %dma_wait3A_68 = arith.constant 0 : i32
    %dma_wait3A_69 = tpu.memref_slice %arg3[%add3A, %dma_wait3A_62, %dma_wait3A_67, %dma_wait3A_68] : memref<32x2x40x125xi32, #tpu.memory_space<hbm>> -> memref<1x1x40x125xi32, #tpu.memory_space<hbm>>
    %dma_wait3A_70 = tpu.memref_squeeze %dma_wait3A_69 : memref<1x1x40x125xi32, #tpu.memory_space<hbm>> -> memref<40x125xi32, #tpu.memory_space<hbm>>
    tpu.wait_dma2 semaphore(%arg16 : memref<!tpu.dma_semaphore, #tpu.memory_space<semaphore_mem>>) src(%dma_wait3A_70 : memref<40x125xi32, #tpu.memory_space<hbm>>) dst(%arg9 : memref<40x125xi32, #tpu.memory_space<vmem>>)
    %dma_start3A_71 = arith.constant 0 : i32
    %dma_start3A_72 = arith.constant 0 : i32
    %dma_start3A_73 = tpu.memref_slice %arg9[%dma_start3A_71, %dma_start3A_72] : memref<40x125xi32, #tpu.memory_space<vmem>> -> memref<1x125xi32, #tpu.memory_space<vmem>>
    %dma_start3A_74 = tpu.memref_squeeze %dma_start3A_73 : memref<1x125xi32, #tpu.memory_space<vmem>> -> memref<125xi32, #tpu.memory_space<vmem>>
    %dma_start3A_75 = arith.constant 0 : i32
    %dma_start3A_76 = arith.constant 0 : i32
    %dma_start3A_77 = tpu.memref_slice %arg2[%dma_start3A_75, %dma_start3A_76] : memref<10000x128xf32, #tpu.memory_space<hbm>> -> memref<10000x128xf32, #tpu.memory_space<hbm>>
    tpu.enqueue_indirect_dma source(%dma_start3A_77 : memref<10000x128xf32, #tpu.memory_space<hbm>>) target(%arg11 : memref<125x128xf32, #tpu.memory_space<vmem>>) offsets(%dma_start3A_74 : memref<125xi32, #tpu.memory_space<vmem>>) semaphore(%arg13 : memref<!tpu.dma_semaphore, #tpu.memory_space<semaphore_mem>>)
    %dma_start3A_78 = arith.constant 1 : i32
    %dma_start3A_79 = arith.constant 0 : i32
    %dma_start3A_80 = tpu.memref_slice %arg9[%dma_start3A_78, %dma_start3A_79] : memref<40x125xi32, #tpu.memory_space<vmem>> -> memref<1x125xi32, #tpu.memory_space<vmem>>
    %dma_start3A_81 = tpu.memref_squeeze %dma_start3A_80 : memref<1x125xi32, #tpu.memory_space<vmem>> -> memref<125xi32, #tpu.memory_space<vmem>>
    %dma_start3A_82 = arith.constant 0 : i32
    %dma_start3A_83 = arith.constant 0 : i32
    %dma_start3A_84 = tpu.memref_slice %arg2[%dma_start3A_82, %dma_start3A_83] : memref<10000x128xf32, #tpu.memory_space<hbm>> -> memref<10000x128xf32, #tpu.memory_space<hbm>>
    tpu.enqueue_indirect_dma source(%dma_start3A_84 : memref<10000x128xf32, #tpu.memory_space<hbm>>) target(%arg12 : memref<125x128xf32, #tpu.memory_space<vmem>>) offsets(%dma_start3A_81 : memref<125xi32, #tpu.memory_space<vmem>>) semaphore(%arg14 : memref<!tpu.dma_semaphore, #tpu.memory_space<semaphore_mem>>)
    %scan3A_85 = arith.constant 0 : i32
    %scan3A_86 = arith.constant 0 : i32
    %scan3A_87 = arith.constant 20 : i32
    %scan3A_88 = arith.addi %scan3A_86, %scan3A_87 : i32
    %scan3A_89 = arith.constant 1 : i32
    scf.for %scan3A_125 = %scan3A_86 to %scan3A_88 step %scan3A_89  : i32 {
      %mul3A_126 = arith.constant 2 : i32
      %mul3A_127 = arith.muli %mul3A_126, %scan3A_125 : i32
      %dma_wait3A_128 = arith.constant 0 : i32
      %dma_wait3A_129 = tpu.memref_slice %arg9[%mul3A_127, %dma_wait3A_128] : memref<40x125xi32, #tpu.memory_space<vmem>> -> memref<1x125xi32, #tpu.memory_space<vmem>>
      %dma_wait3A_130 = tpu.memref_squeeze %dma_wait3A_129 : memref<1x125xi32, #tpu.memory_space<vmem>> -> memref<125xi32, #tpu.memory_space<vmem>>
      %dma_wait3A_131 = arith.constant 0 : i32
      %dma_wait3A_132 = arith.constant 0 : i32
      %dma_wait3A_133 = tpu.memref_slice %arg2[%dma_wait3A_131, %dma_wait3A_132] : memref<10000x128xf32, #tpu.memory_space<hbm>> -> memref<10000x128xf32, #tpu.memory_space<hbm>>
      tpu.wait_indirect_dma semaphore(%arg13 : memref<!tpu.dma_semaphore, #tpu.memory_space<semaphore_mem>>) src(%dma_wait3A_133 : memref<10000x128xf32, #tpu.memory_space<hbm>>) dst(%arg11 : memref<125x128xf32, #tpu.memory_space<vmem>>)
      "tpu.region"() ({
        %run_scoped3A_158 = tpu.sem_alloc : memref<!tpu.dma_semaphore, #tpu.memory_space<semaphore_mem>>
        %dma_start3A_159 = arith.constant 0 : i32
        %dma_start3A_160 = tpu.memref_slice %arg10[%mul3A_127, %dma_start3A_159] : memref<40x125xi32, #tpu.memory_space<vmem>> -> memref<1x125xi32, #tpu.memory_space<vmem>>
        %dma_start3A_161 = tpu.memref_squeeze %dma_start3A_160 : memref<1x125xi32, #tpu.memory_space<vmem>> -> memref<125xi32, #tpu.memory_space<vmem>>
        %dma_start3A_162 = arith.constant 0 : i32
        %dma_start3A_163 = arith.constant 0 : i32
        %dma_start3A_164 = tpu.memref_slice %arg8[%dma_start3A_162, %dma_start3A_163] : memref<10000x128xf32, #tpu.memory_space<vmem_shared>> -> memref<10000x128xf32, #tpu.memory_space<vmem_shared>>
        tpu.enqueue_indirect_dma source(%arg11 : memref<125x128xf32, #tpu.memory_space<vmem>>) target(%dma_start3A_164 : memref<10000x128xf32, #tpu.memory_space<vmem_shared>>) offsets(%dma_start3A_161 : memref<125xi32, #tpu.memory_space<vmem>>) semaphore(%run_scoped3A_158 : memref<!tpu.dma_semaphore, #tpu.memory_space<semaphore_mem>>) {add = true}
        %dma_wait3A_165 = arith.constant 0 : i32
        %dma_wait3A_166 = tpu.memref_slice %arg10[%mul3A_127, %dma_wait3A_165] : memref<40x125xi32, #tpu.memory_space<vmem>> -> memref<1x125xi32, #tpu.memory_space<vmem>>
        %dma_wait3A_167 = tpu.memref_squeeze %dma_wait3A_166 : memref<1x125xi32, #tpu.memory_space<vmem>> -> memref<125xi32, #tpu.memory_space<vmem>>
        %dma_wait3A_168 = arith.constant 0 : i32
        %dma_wait3A_169 = arith.constant 0 : i32
        %dma_wait3A_170 = tpu.memref_slice %arg8[%dma_wait3A_168, %dma_wait3A_169] : memref<10000x128xf32, #tpu.memory_space<vmem_shared>> -> memref<10000x128xf32, #tpu.memory_space<vmem_shared>>
        tpu.wait_indirect_dma semaphore(%run_scoped3A_158 : memref<!tpu.dma_semaphore, #tpu.memory_space<semaphore_mem>>) src(%arg11 : memref<125x128xf32, #tpu.memory_space<vmem>>) dst(%dma_wait3A_170 : memref<10000x128xf32, #tpu.memory_space<vmem_shared>>)
        tpu.yield
      }) : () -> ()
      %add3A_134 = arith.constant 2 : i32
      %add3A_135 = arith.addi %mul3A_127, %add3A_134 : i32
      %lt3A_136 = arith.constant 40 : i32
      %lt3A_137 = arith.cmpi slt, %add3A_135, %lt3A_136 : i32
      %convert_element_type3A_138 = arith.extui %lt3A_137 : i1 to i32
      %cond3A_139 = arith.constant 0 : i32
      %cond3A_140 = arith.cmpi ne, %convert_element_type3A_138, %cond3A_139 : i32
      scf.if %cond3A_140 {
        %add3A_158 = arith.constant 2 : i32
        %add3A_159 = arith.addi %mul3A_127, %add3A_158 : i32
        %dma_start3A_160 = arith.constant 0 : i32
        %dma_start3A_161 = tpu.memref_slice %arg9[%add3A_159, %dma_start3A_160] : memref<40x125xi32, #tpu.memory_space<vmem>> -> memref<1x125xi32, #tpu.memory_space<vmem>>
        %dma_start3A_162 = tpu.memref_squeeze %dma_start3A_161 : memref<1x125xi32, #tpu.memory_space<vmem>> -> memref<125xi32, #tpu.memory_space<vmem>>
        %dma_start3A_163 = arith.constant 0 : i32
        %dma_start3A_164 = arith.constant 0 : i32
        %dma_start3A_165 = tpu.memref_slice %arg2[%dma_start3A_163, %dma_start3A_164] : memref<10000x128xf32, #tpu.memory_space<hbm>> -> memref<10000x128xf32, #tpu.memory_space<hbm>>
        tpu.enqueue_indirect_dma source(%dma_start3A_165 : memref<10000x128xf32, #tpu.memory_space<hbm>>) target(%arg11 : memref<125x128xf32, #tpu.memory_space<vmem>>) offsets(%dma_start3A_162 : memref<125xi32, #tpu.memory_space<vmem>>) semaphore(%arg13 : memref<!tpu.dma_semaphore, #tpu.memory_space<semaphore_mem>>)
      } else {
      }
      %add3A_141 = arith.constant 1 : i32
      %add3A_142 = arith.addi %mul3A_127, %add3A_141 : i32
      %dma_wait3A_143 = arith.constant 0 : i32
      %dma_wait3A_144 = tpu.memref_slice %arg9[%add3A_142, %dma_wait3A_143] : memref<40x125xi32, #tpu.memory_space<vmem>> -> memref<1x125xi32, #tpu.memory_space<vmem>>
      %dma_wait3A_145 = tpu.memref_squeeze %dma_wait3A_144 : memref<1x125xi32, #tpu.memory_space<vmem>> -> memref<125xi32, #tpu.memory_space<vmem>>
      %dma_wait3A_146 = arith.constant 0 : i32
      %dma_wait3A_147 = arith.constant 0 : i32
      %dma_wait3A_148 = tpu.memref_slice %arg2[%dma_wait3A_146, %dma_wait3A_147] : memref<10000x128xf32, #tpu.memory_space<hbm>> -> memref<10000x128xf32, #tpu.memory_space<hbm>>
      tpu.wait_indirect_dma semaphore(%arg14 : memref<!tpu.dma_semaphore, #tpu.memory_space<semaphore_mem>>) src(%dma_wait3A_148 : memref<10000x128xf32, #tpu.memory_space<hbm>>) dst(%arg12 : memref<125x128xf32, #tpu.memory_space<vmem>>)
      %add3A_149 = arith.constant 1 : i32
      %add3A_150 = arith.addi %mul3A_127, %add3A_149 : i32
      "tpu.region"() ({
        %run_scoped3A_158 = tpu.sem_alloc : memref<!tpu.dma_semaphore, #tpu.memory_space<semaphore_mem>>
        %dma_start3A_159 = arith.constant 0 : i32
        %dma_start3A_160 = tpu.memref_slice %arg10[%add3A_150, %dma_start3A_159] : memref<40x125xi32, #tpu.memory_space<vmem>> -> memref<1x125xi32, #tpu.memory_space<vmem>>
        %dma_start3A_161 = tpu.memref_squeeze %dma_start3A_160 : memref<1x125xi32, #tpu.memory_space<vmem>> -> memref<125xi32, #tpu.memory_space<vmem>>
        %dma_start3A_162 = arith.constant 0 : i32
        %dma_start3A_163 = arith.constant 0 : i32
        %dma_start3A_164 = tpu.memref_slice %arg8[%dma_start3A_162, %dma_start3A_163] : memref<10000x128xf32, #tpu.memory_space<vmem_shared>> -> memref<10000x128xf32, #tpu.memory_space<vmem_shared>>
        tpu.enqueue_indirect_dma source(%arg12 : memref<125x128xf32, #tpu.memory_space<vmem>>) target(%dma_start3A_164 : memref<10000x128xf32, #tpu.memory_space<vmem_shared>>) offsets(%dma_start3A_161 : memref<125xi32, #tpu.memory_space<vmem>>) semaphore(%run_scoped3A_158 : memref<!tpu.dma_semaphore, #tpu.memory_space<semaphore_mem>>) {add = true}
        %dma_wait3A_165 = arith.constant 0 : i32
        %dma_wait3A_166 = tpu.memref_slice %arg10[%add3A_150, %dma_wait3A_165] : memref<40x125xi32, #tpu.memory_space<vmem>> -> memref<1x125xi32, #tpu.memory_space<vmem>>
        %dma_wait3A_167 = tpu.memref_squeeze %dma_wait3A_166 : memref<1x125xi32, #tpu.memory_space<vmem>> -> memref<125xi32, #tpu.memory_space<vmem>>
        %dma_wait3A_168 = arith.constant 0 : i32
        %dma_wait3A_169 = arith.constant 0 : i32
        %dma_wait3A_170 = tpu.memref_slice %arg8[%dma_wait3A_168, %dma_wait3A_169] : memref<10000x128xf32, #tpu.memory_space<vmem_shared>> -> memref<10000x128xf32, #tpu.memory_space<vmem_shared>>
        tpu.wait_indirect_dma semaphore(%run_scoped3A_158 : memref<!tpu.dma_semaphore, #tpu.memory_space<semaphore_mem>>) src(%arg12 : memref<125x128xf32, #tpu.memory_space<vmem>>) dst(%dma_wait3A_170 : memref<10000x128xf32, #tpu.memory_space<vmem_shared>>)
        tpu.yield
      }) : () -> ()
      %add3A_151 = arith.constant 3 : i32
      %add3A_152 = arith.addi %mul3A_127, %add3A_151 : i32
      %lt3A_153 = arith.constant 40 : i32
      %lt3A_154 = arith.cmpi slt, %add3A_152, %lt3A_153 : i32
      %convert_element_type3A_155 = arith.extui %lt3A_154 : i1 to i32
      %cond3A_156 = arith.constant 0 : i32
      %cond3A_157 = arith.cmpi ne, %convert_element_type3A_155, %cond3A_156 : i32
      scf.if %cond3A_157 {
        %add3A_158 = arith.constant 3 : i32
        %add3A_159 = arith.addi %mul3A_127, %add3A_158 : i32
        %dma_start3A_160 = arith.constant 0 : i32
        %dma_start3A_161 = tpu.memref_slice %arg9[%add3A_159, %dma_start3A_160] : memref<40x125xi32, #tpu.memory_space<vmem>> -> memref<1x125xi32, #tpu.memory_space<vmem>>
        %dma_start3A_162 = tpu.memref_squeeze %dma_start3A_161 : memref<1x125xi32, #tpu.memory_space<vmem>> -> memref<125xi32, #tpu.memory_space<vmem>>
        %dma_start3A_163 = arith.constant 0 : i32
        %dma_start3A_164 = arith.constant 0 : i32
        %dma_start3A_165 = tpu.memref_slice %arg2[%dma_start3A_163, %dma_start3A_164] : memref<10000x128xf32, #tpu.memory_space<hbm>> -> memref<10000x128xf32, #tpu.memory_space<hbm>>
        tpu.enqueue_indirect_dma source(%dma_start3A_165 : memref<10000x128xf32, #tpu.memory_space<hbm>>) target(%arg12 : memref<125x128xf32, #tpu.memory_space<vmem>>) offsets(%dma_start3A_162 : memref<125xi32, #tpu.memory_space<vmem>>) semaphore(%arg14 : memref<!tpu.dma_semaphore, #tpu.memory_space<semaphore_mem>>)
      } else {
      }
    }
    %scan3A_90 = arith.constant 20 : i32
    %barrier3A_91 = arith.constant 0 : index
    tpu.barrier barrier_id(%barrier3A_91)
    %mul3A_92 = arith.constant 640 : i32
    %mul3A_93 = arith.muli %arg1, %mul3A_92 : i32
    %eq3A_94 = arith.constant 0 : i32
    %eq3A_95 = arith.cmpi eq, %arg0, %eq3A_94 : i32
    %lt3A_96 = arith.constant 15 : i32
    %lt3A_97 = arith.cmpi slt, %arg1, %lt3A_96 : i32
    %and3A = arith.andi %eq3A_95, %lt3A_97 : i1
    %convert_element_type3A_98 = arith.extui %and3A : i1 to i32
    %cond3A_99 = arith.constant 0 : i32
    %cond3A_100 = arith.cmpi ne, %convert_element_type3A_98, %cond3A_99 : i32
    scf.if %cond3A_100 {
      "tpu.region"() ({
        %run_scoped3A_125 = tpu.sem_alloc : memref<!tpu.dma_semaphore, #tpu.memory_space<semaphore_mem>>
        %dma_start3A_126 = arith.constant 0 : i32
        %dma_start3A_127 = tpu.memref_slice %arg6[%mul3A_93, %dma_start3A_126] : memref<10000x128xf32, #tpu.memory_space<hbm>> -> memref<640x128xf32, #tpu.memory_space<hbm>>
        %dma_start3A_128 = arith.constant 0 : i32
        %dma_start3A_129 = tpu.memref_slice %arg8[%mul3A_93, %dma_start3A_128] : memref<10000x128xf32, #tpu.memory_space<vmem_shared>> -> memref<640x128xf32, #tpu.memory_space<vmem_shared>>
        tpu.enqueue_dma source(%dma_start3A_129 : memref<640x128xf32, #tpu.memory_space<vmem_shared>>) target(%dma_start3A_127 : memref<640x128xf32, #tpu.memory_space<hbm>>) target_semaphore(%run_scoped3A_125 : memref<!tpu.dma_semaphore, #tpu.memory_space<semaphore_mem>>)
        %dma_wait3A_130 = arith.constant 0 : i32
        %dma_wait3A_131 = tpu.memref_slice %arg6[%mul3A_93, %dma_wait3A_130] : memref<10000x128xf32, #tpu.memory_space<hbm>> -> memref<640x128xf32, #tpu.memory_space<hbm>>
        %dma_wait3A_132 = arith.constant 0 : i32
        %dma_wait3A_133 = tpu.memref_slice %arg8[%mul3A_93, %dma_wait3A_132] : memref<10000x128xf32, #tpu.memory_space<vmem_shared>> -> memref<640x128xf32, #tpu.memory_space<vmem_shared>>
        tpu.wait_dma2 semaphore(%run_scoped3A_125 : memref<!tpu.dma_semaphore, #tpu.memory_space<semaphore_mem>>) src(%dma_wait3A_133 : memref<640x128xf32, #tpu.memory_space<vmem_shared>>) dst(%dma_wait3A_131 : memref<640x128xf32, #tpu.memory_space<hbm>>)
        tpu.yield
      }) : () -> ()
    } else {
    }
    %eq3A_101 = arith.constant 0 : i32
    %eq3A_102 = arith.cmpi eq, %arg0, %eq3A_101 : i32
    %eq3A_103 = arith.constant 15 : i32
    %eq3A_104 = arith.cmpi eq, %arg1, %eq3A_103 : i32
    %and3A_105 = arith.andi %eq3A_102, %eq3A_104 : i1
    %convert_element_type3A_106 = arith.extui %and3A_105 : i1 to i32
    %cond3A_107 = arith.constant 0 : i32
    %cond3A_108 = arith.cmpi ne, %convert_element_type3A_106, %cond3A_107 : i32
    scf.if %cond3A_108 {
      "tpu.region"() ({
        %run_scoped3A_125 = tpu.sem_alloc : memref<!tpu.dma_semaphore, #tpu.memory_space<semaphore_mem>>
        %dma_start3A_126 = arith.constant 9600 : i32
        %dma_start3A_127 = arith.constant 0 : i32
        %dma_start3A_128 = tpu.memref_slice %arg6[%dma_start3A_126, %dma_start3A_127] : memref<10000x128xf32, #tpu.memory_space<hbm>> -> memref<400x128xf32, #tpu.memory_space<hbm>>
        %dma_start3A_129 = arith.constant 9600 : i32
        %dma_start3A_130 = arith.constant 0 : i32
        %dma_start3A_131 = tpu.memref_slice %arg8[%dma_start3A_129, %dma_start3A_130] : memref<10000x128xf32, #tpu.memory_space<vmem_shared>> -> memref<400x128xf32, #tpu.memory_space<vmem_shared>>
        tpu.enqueue_dma source(%dma_start3A_131 : memref<400x128xf32, #tpu.memory_space<vmem_shared>>) target(%dma_start3A_128 : memref<400x128xf32, #tpu.memory_space<hbm>>) target_semaphore(%run_scoped3A_125 : memref<!tpu.dma_semaphore, #tpu.memory_space<semaphore_mem>>)
        %dma_wait3A_132 = arith.constant 9600 : i32
        %dma_wait3A_133 = arith.constant 0 : i32
        %dma_wait3A_134 = tpu.memref_slice %arg6[%dma_wait3A_132, %dma_wait3A_133] : memref<10000x128xf32, #tpu.memory_space<hbm>> -> memref<400x128xf32, #tpu.memory_space<hbm>>
        %dma_wait3A_135 = arith.constant 9600 : i32
        %dma_wait3A_136 = arith.constant 0 : i32
        %dma_wait3A_137 = tpu.memref_slice %arg8[%dma_wait3A_135, %dma_wait3A_136] : memref<10000x128xf32, #tpu.memory_space<vmem_shared>> -> memref<400x128xf32, #tpu.memory_space<vmem_shared>>
        tpu.wait_dma2 semaphore(%run_scoped3A_125 : memref<!tpu.dma_semaphore, #tpu.memory_space<semaphore_mem>>) src(%dma_wait3A_137 : memref<400x128xf32, #tpu.memory_space<vmem_shared>>) dst(%dma_wait3A_134 : memref<400x128xf32, #tpu.memory_space<hbm>>)
        tpu.yield
      }) : () -> ()
    } else {
    }
    %eq3A_109 = arith.constant 1 : i32
    %eq3A_110 = arith.cmpi eq, %arg0, %eq3A_109 : i32
    %lt3A_111 = arith.constant 15 : i32
    %lt3A_112 = arith.cmpi slt, %arg1, %lt3A_111 : i32
    %and3A_113 = arith.andi %eq3A_110, %lt3A_112 : i1
    %convert_element_type3A_114 = arith.extui %and3A_113 : i1 to i32
    %cond3A_115 = arith.constant 0 : i32
    %cond3A_116 = arith.cmpi ne, %convert_element_type3A_114, %cond3A_115 : i32
    scf.if %cond3A_116 {
      "tpu.region"() ({
        %run_scoped3A_125 = tpu.sem_alloc : memref<!tpu.dma_semaphore, #tpu.memory_space<semaphore_mem>>
        %dma_start3A_126 = arith.constant 0 : i32
        %dma_start3A_127 = tpu.memref_slice %arg7[%mul3A_93, %dma_start3A_126] : memref<10000x128xf32, #tpu.memory_space<hbm>> -> memref<640x128xf32, #tpu.memory_space<hbm>>
        %dma_start3A_128 = arith.constant 0 : i32
        %dma_start3A_129 = tpu.memref_slice %arg8[%mul3A_93, %dma_start3A_128] : memref<10000x128xf32, #tpu.memory_space<vmem_shared>> -> memref<640x128xf32, #tpu.memory_space<vmem_shared>>
        tpu.enqueue_dma source(%dma_start3A_129 : memref<640x128xf32, #tpu.memory_space<vmem_shared>>) target(%dma_start3A_127 : memref<640x128xf32, #tpu.memory_space<hbm>>) target_semaphore(%run_scoped3A_125 : memref<!tpu.dma_semaphore, #tpu.memory_space<semaphore_mem>>)
        %dma_wait3A_130 = arith.constant 0 : i32
        %dma_wait3A_131 = tpu.memref_slice %arg7[%mul3A_93, %dma_wait3A_130] : memref<10000x128xf32, #tpu.memory_space<hbm>> -> memref<640x128xf32, #tpu.memory_space<hbm>>
        %dma_wait3A_132 = arith.constant 0 : i32
        %dma_wait3A_133 = tpu.memref_slice %arg8[%mul3A_93, %dma_wait3A_132] : memref<10000x128xf32, #tpu.memory_space<vmem_shared>> -> memref<640x128xf32, #tpu.memory_space<vmem_shared>>
        tpu.wait_dma2 semaphore(%run_scoped3A_125 : memref<!tpu.dma_semaphore, #tpu.memory_space<semaphore_mem>>) src(%dma_wait3A_133 : memref<640x128xf32, #tpu.memory_space<vmem_shared>>) dst(%dma_wait3A_131 : memref<640x128xf32, #tpu.memory_space<hbm>>)
        tpu.yield
      }) : () -> ()
    } else {
    }
    %eq3A_117 = arith.constant 1 : i32
    %eq3A_118 = arith.cmpi eq, %arg0, %eq3A_117 : i32
    %eq3A_119 = arith.constant 15 : i32
    %eq3A_120 = arith.cmpi eq, %arg1, %eq3A_119 : i32
    %and3A_121 = arith.andi %eq3A_118, %eq3A_120 : i1
    %convert_element_type3A_122 = arith.extui %and3A_121 : i1 to i32
    %cond3A_123 = arith.constant 0 : i32
    %cond3A_124 = arith.cmpi ne, %convert_element_type3A_122, %cond3A_123 : i32
    scf.if %cond3A_124 {
      "tpu.region"() ({
        %run_scoped3A_125 = tpu.sem_alloc : memref<!tpu.dma_semaphore, #tpu.memory_space<semaphore_mem>>
        %dma_start3A_126 = arith.constant 9600 : i32
        %dma_start3A_127 = arith.constant 0 : i32
        %dma_start3A_128 = tpu.memref_slice %arg7[%dma_start3A_126, %dma_start3A_127] : memref<10000x128xf32, #tpu.memory_space<hbm>> -> memref<400x128xf32, #tpu.memory_space<hbm>>
        %dma_start3A_129 = arith.constant 9600 : i32
        %dma_start3A_130 = arith.constant 0 : i32
        %dma_start3A_131 = tpu.memref_slice %arg8[%dma_start3A_129, %dma_start3A_130] : memref<10000x128xf32, #tpu.memory_space<vmem_shared>> -> memref<400x128xf32, #tpu.memory_space<vmem_shared>>
        tpu.enqueue_dma source(%dma_start3A_131 : memref<400x128xf32, #tpu.memory_space<vmem_shared>>) target(%dma_start3A_128 : memref<400x128xf32, #tpu.memory_space<hbm>>) target_semaphore(%run_scoped3A_125 : memref<!tpu.dma_semaphore, #tpu.memory_space<semaphore_mem>>)
        %dma_wait3A_132 = arith.constant 9600 : i32
        %dma_wait3A_133 = arith.constant 0 : i32
        %dma_wait3A_134 = tpu.memref_slice %arg7[%dma_wait3A_132, %dma_wait3A_133] : memref<10000x128xf32, #tpu.memory_space<hbm>> -> memref<400x128xf32, #tpu.memory_space<hbm>>
        %dma_wait3A_135 = arith.constant 9600 : i32
        %dma_wait3A_136 = arith.constant 0 : i32
        %dma_wait3A_137 = tpu.memref_slice %arg8[%dma_wait3A_135, %dma_wait3A_136] : memref<10000x128xf32, #tpu.memory_space<vmem_shared>> -> memref<400x128xf32, #tpu.memory_space<vmem_shared>>
        tpu.wait_dma2 semaphore(%run_scoped3A_125 : memref<!tpu.dma_semaphore, #tpu.memory_space<semaphore_mem>>) src(%dma_wait3A_137 : memref<400x128xf32, #tpu.memory_space<vmem_shared>>) dst(%dma_wait3A_134 : memref<400x128xf32, #tpu.memory_space<hbm>>)
        tpu.yield
      }) : () -> ()
    } else {
    }
    return
  }
}

#map = affine_map<(d0, d1) -> (0, 0)>
#map1 = affine_map<(d0, d1) -> (0, 0, 0, 0)>
module attributes {stable_mosaic.version = 14 : i64} {
  func.func @_segsum_body(%arg0: i32, %arg1: i32, %arg2: memref<10000x128xf32, #tpu.memory_space<hbm>>, %arg3: memref<32x2x40x125xi32, #tpu.memory_space<hbm>>, %arg4: memref<32x2x40x125xi32, #tpu.memory_space<hbm>>, %arg5: memref<10000x128xf32, #tpu.memory_space<hbm>>, %arg6: memref<10000x128xf32, #tpu.memory_space<hbm>>, %arg7: memref<10000x128xf32, #tpu.memory_space<hbm>>, %arg8: memref<10000x128xf32, #tpu.memory_space<vmem_shared>>, %arg9: memref<40x125xi32, #tpu.memory_space<vmem>>, %arg10: memref<40x125xi32, #tpu.memory_space<vmem>>, %arg11: memref<125x128xf32, #tpu.memory_space<vmem>>, %arg12: memref<125x128xf32, #tpu.memory_space<vmem>>, %arg13: memref<!tpu.dma_semaphore, #tpu.memory_space<semaphore_mem>>, %arg14: memref<!tpu.dma_semaphore, #tpu.memory_space<semaphore_mem>>, %arg15: memref<!tpu.dma_semaphore, #tpu.memory_space<semaphore_mem>>, %arg16: memref<!tpu.dma_semaphore, #tpu.memory_space<semaphore_mem>>) attributes {dimension_semantics = [#tpu.dimension_semantics<core_parallel>, #tpu.dimension_semantics<subcore_parallel>], iteration_bounds = array<i64: 2, 16>, scalar_prefetch = 0 : i64, scratch_operands = 9 : i64, tpu.core_type = #tpu.core_type<sc_vector_subcore>, window_params = [{transform_indices = #map}, {transform_indices = #map1}, {transform_indices = #map1}, {transform_indices = #map}, {transform_indices = #map}, {transform_indices = #map}]} {
    %mul3A = arith.constant 16 : i32
    %mul3A_0 = arith.muli %arg0, %mul3A : i32
    %add3A = arith.addi %mul3A_0, %arg1 : i32
    %lt3A = arith.constant 15 : i32
    %lt3A_1 = arith.cmpi slt, %arg1, %lt3A : i32
    %convert_element_type3A = arith.extui %lt3A_1 : i1 to i32
    %cond3A = arith.constant 0 : i32
    %cond3A_2 = arith.cmpi ne, %convert_element_type3A, %cond3A : i32
    scf.if %cond3A_2 {
      %mul3A_125 = arith.constant 640 : i32
      %mul3A_126 = arith.muli %arg1, %mul3A_125 : i32
      %mul3A_127 = arith.constant 640 : i32
      %mul3A_128 = arith.muli %arg1, %mul3A_127 : i32
      %dma_start3A_129 = arith.constant 0 : i32
      %dma_start3A_130 = tpu.memref_slice %arg8[%mul3A_128, %dma_start3A_129] : memref<10000x128xf32, #tpu.memory_space<vmem_shared>> -> memref<640x128xf32, #tpu.memory_space<vmem_shared>>
      %dma_start3A_131 = arith.constant 0 : i32
      %dma_start3A_132 = tpu.memref_slice %arg5[%mul3A_126, %dma_start3A_131] : memref<10000x128xf32, #tpu.memory_space<hbm>> -> memref<640x128xf32, #tpu.memory_space<hbm>>
      tpu.enqueue_dma source(%dma_start3A_132 : memref<640x128xf32, #tpu.memory_space<hbm>>) target(%dma_start3A_130 : memref<640x128xf32, #tpu.memory_space<vmem_shared>>) target_semaphore(%arg15 : memref<!tpu.dma_semaphore, #tpu.memory_space<semaphore_mem>>)
    } else {
    }
    %eq3A = arith.constant 15 : i32
    %eq3A_3 = arith.cmpi eq, %arg1, %eq3A : i32
    %convert_element_type3A_4 = arith.extui %eq3A_3 : i1 to i32
    %cond3A_5 = arith.constant 0 : i32
    %cond3A_6 = arith.cmpi ne, %convert_element_type3A_4, %cond3A_5 : i32
    scf.if %cond3A_6 {
      %dma_start3A_125 = arith.constant 9600 : i32
      %dma_start3A_126 = arith.constant 0 : i32
      %dma_start3A_127 = tpu.memref_slice %arg8[%dma_start3A_125, %dma_start3A_126] : memref<10000x128xf32, #tpu.memory_space<vmem_shared>> -> memref<400x128xf32, #tpu.memory_space<vmem_shared>>
      %dma_start3A_128 = arith.constant 9600 : i32
      %dma_start3A_129 = arith.constant 0 : i32
      %dma_start3A_130 = tpu.memref_slice %arg5[%dma_start3A_128, %dma_start3A_129] : memref<10000x128xf32, #tpu.memory_space<hbm>> -> memref<400x128xf32, #tpu.memory_space<hbm>>
      tpu.enqueue_dma source(%dma_start3A_130 : memref<400x128xf32, #tpu.memory_space<hbm>>) target(%dma_start3A_127 : memref<400x128xf32, #tpu.memory_space<vmem_shared>>) target_semaphore(%arg15 : memref<!tpu.dma_semaphore, #tpu.memory_space<semaphore_mem>>)
    } else {
    }
    %dma_start3A = arith.constant 0 : i32
    %dma_start3A_7 = arith.constant 0 : i32
    %dma_start3A_8 = arith.constant 0 : i32
    %dma_start3A_9 = tpu.memref_slice %arg3[%add3A, %dma_start3A, %dma_start3A_7, %dma_start3A_8] : memref<32x2x40x125xi32, #tpu.memory_space<hbm>> -> memref<1x1x40x125xi32, #tpu.memory_space<hbm>>
    %dma_start3A_10 = tpu.memref_squeeze %dma_start3A_9 : memref<1x1x40x125xi32, #tpu.memory_space<hbm>> -> memref<40x125xi32, #tpu.memory_space<hbm>>
    %dma_start3A_11 = arith.constant 0 : i32
    %dma_start3A_12 = arith.constant 0 : i32
    %dma_start3A_13 = tpu.memref_slice %arg3[%add3A, %dma_start3A, %dma_start3A_11, %dma_start3A_12] : memref<32x2x40x125xi32, #tpu.memory_space<hbm>> -> memref<1x1x40x125xi32, #tpu.memory_space<hbm>>
    %dma_start3A_14 = tpu.memref_squeeze %dma_start3A_13 : memref<1x1x40x125xi32, #tpu.memory_space<hbm>> -> memref<40x125xi32, #tpu.memory_space<hbm>>
    tpu.enqueue_dma source(%dma_start3A_14 : memref<40x125xi32, #tpu.memory_space<hbm>>) target(%arg9 : memref<40x125xi32, #tpu.memory_space<vmem>>) target_semaphore(%arg16 : memref<!tpu.dma_semaphore, #tpu.memory_space<semaphore_mem>>)
    %run_scoped3A = arith.constant 0 : i32
    "tpu.region"() ({
      %run_scoped3A_125 = tpu.sem_alloc : memref<!tpu.dma_semaphore, #tpu.memory_space<semaphore_mem>>
      %dma_start3A_126 = arith.constant 0 : i32
      %dma_start3A_127 = arith.constant 0 : i32
      %dma_start3A_128 = tpu.memref_slice %arg4[%add3A, %run_scoped3A, %dma_start3A_126, %dma_start3A_127] : memref<32x2x40x125xi32, #tpu.memory_space<hbm>> -> memref<1x1x40x125xi32, #tpu.memory_space<hbm>>
      %dma_start3A_129 = tpu.memref_squeeze %dma_start3A_128 : memref<1x1x40x125xi32, #tpu.memory_space<hbm>> -> memref<40x125xi32, #tpu.memory_space<hbm>>
      %dma_start3A_130 = arith.constant 0 : i32
      %dma_start3A_131 = arith.constant 0 : i32
      %dma_start3A_132 = tpu.memref_slice %arg4[%add3A, %run_scoped3A, %dma_start3A_130, %dma_start3A_131] : memref<32x2x40x125xi32, #tpu.memory_space<hbm>> -> memref<1x1x40x125xi32, #tpu.memory_space<hbm>>
      %dma_start3A_133 = tpu.memref_squeeze %dma_start3A_132 : memref<1x1x40x125xi32, #tpu.memory_space<hbm>> -> memref<40x125xi32, #tpu.memory_space<hbm>>
      tpu.enqueue_dma source(%dma_start3A_133 : memref<40x125xi32, #tpu.memory_space<hbm>>) target(%arg10 : memref<40x125xi32, #tpu.memory_space<vmem>>) target_semaphore(%run_scoped3A_125 : memref<!tpu.dma_semaphore, #tpu.memory_space<semaphore_mem>>)
      %dma_wait3A_134 = arith.constant 0 : i32
      %dma_wait3A_135 = arith.constant 0 : i32
      %dma_wait3A_136 = tpu.memref_slice %arg4[%add3A, %run_scoped3A, %dma_wait3A_134, %dma_wait3A_135] : memref<32x2x40x125xi32, #tpu.memory_space<hbm>> -> memref<1x1x40x125xi32, #tpu.memory_space<hbm>>
      %dma_wait3A_137 = tpu.memref_squeeze %dma_wait3A_136 : memref<1x1x40x125xi32, #tpu.memory_space<hbm>> -> memref<40x125xi32, #tpu.memory_space<hbm>>
      %dma_wait3A_138 = arith.constant 0 : i32
      %dma_wait3A_139 = arith.constant 0 : i32
      %dma_wait3A_140 = tpu.memref_slice %arg4[%add3A, %run_scoped3A, %dma_wait3A_138, %dma_wait3A_139] : memref<32x2x40x125xi32, #tpu.memory_space<hbm>> -> memref<1x1x40x125xi32, #tpu.memory_space<hbm>>
      %dma_wait3A_141 = tpu.memref_squeeze %dma_wait3A_140 : memref<1x1x40x125xi32, #tpu.memory_space<hbm>> -> memref<40x125xi32, #tpu.memory_space<hbm>>
      tpu.wait_dma2 semaphore(%run_scoped3A_125 : memref<!tpu.dma_semaphore, #tpu.memory_space<semaphore_mem>>) src(%dma_wait3A_141 : memref<40x125xi32, #tpu.memory_space<hbm>>) dst(%arg10 : memref<40x125xi32, #tpu.memory_space<vmem>>)
      tpu.yield
    }) : () -> ()
    %dma_wait3A = arith.constant 0 : i32
    %dma_wait3A_15 = arith.constant 0 : i32
    %dma_wait3A_16 = arith.constant 0 : i32
    %dma_wait3A_17 = tpu.memref_slice %arg3[%add3A, %dma_wait3A, %dma_wait3A_15, %dma_wait3A_16] : memref<32x2x40x125xi32, #tpu.memory_space<hbm>> -> memref<1x1x40x125xi32, #tpu.memory_space<hbm>>
    %dma_wait3A_18 = tpu.memref_squeeze %dma_wait3A_17 : memref<1x1x40x125xi32, #tpu.memory_space<hbm>> -> memref<40x125xi32, #tpu.memory_space<hbm>>
    %dma_wait3A_19 = arith.constant 0 : i32
    %dma_wait3A_20 = arith.constant 0 : i32
    %dma_wait3A_21 = tpu.memref_slice %arg3[%add3A, %dma_wait3A, %dma_wait3A_19, %dma_wait3A_20] : memref<32x2x40x125xi32, #tpu.memory_space<hbm>> -> memref<1x1x40x125xi32, #tpu.memory_space<hbm>>
    %dma_wait3A_22 = tpu.memref_squeeze %dma_wait3A_21 : memref<1x1x40x125xi32, #tpu.memory_space<hbm>> -> memref<40x125xi32, #tpu.memory_space<hbm>>
    tpu.wait_dma2 semaphore(%arg16 : memref<!tpu.dma_semaphore, #tpu.memory_space<semaphore_mem>>) src(%dma_wait3A_22 : memref<40x125xi32, #tpu.memory_space<hbm>>) dst(%arg9 : memref<40x125xi32, #tpu.memory_space<vmem>>)
    %dma_start3A_23 = arith.constant 0 : i32
    %dma_start3A_24 = arith.constant 0 : i32
    %dma_start3A_25 = tpu.memref_slice %arg9[%dma_start3A_23, %dma_start3A_24] : memref<40x125xi32, #tpu.memory_space<vmem>> -> memref<1x125xi32, #tpu.memory_space<vmem>>
    %dma_start3A_26 = tpu.memref_squeeze %dma_start3A_25 : memref<1x125xi32, #tpu.memory_space<vmem>> -> memref<125xi32, #tpu.memory_space<vmem>>
    %dma_start3A_27 = arith.constant 0 : i32
    %dma_start3A_28 = arith.constant 0 : i32
    %dma_start3A_29 = tpu.memref_slice %arg2[%dma_start3A_27, %dma_start3A_28] : memref<10000x128xf32, #tpu.memory_space<hbm>> -> memref<10000x128xf32, #tpu.memory_space<hbm>>
    tpu.enqueue_indirect_dma source(%dma_start3A_29 : memref<10000x128xf32, #tpu.memory_space<hbm>>) target(%arg11 : memref<125x128xf32, #tpu.memory_space<vmem>>) offsets(%dma_start3A_26 : memref<125xi32, #tpu.memory_space<vmem>>) semaphore(%arg13 : memref<!tpu.dma_semaphore, #tpu.memory_space<semaphore_mem>>)
    %dma_start3A_30 = arith.constant 1 : i32
    %dma_start3A_31 = arith.constant 0 : i32
    %dma_start3A_32 = tpu.memref_slice %arg9[%dma_start3A_30, %dma_start3A_31] : memref<40x125xi32, #tpu.memory_space<vmem>> -> memref<1x125xi32, #tpu.memory_space<vmem>>
    %dma_start3A_33 = tpu.memref_squeeze %dma_start3A_32 : memref<1x125xi32, #tpu.memory_space<vmem>> -> memref<125xi32, #tpu.memory_space<vmem>>
    %dma_start3A_34 = arith.constant 0 : i32
    %dma_start3A_35 = arith.constant 0 : i32
    %dma_start3A_36 = tpu.memref_slice %arg2[%dma_start3A_34, %dma_start3A_35] : memref<10000x128xf32, #tpu.memory_space<hbm>> -> memref<10000x128xf32, #tpu.memory_space<hbm>>
    tpu.enqueue_indirect_dma source(%dma_start3A_36 : memref<10000x128xf32, #tpu.memory_space<hbm>>) target(%arg12 : memref<125x128xf32, #tpu.memory_space<vmem>>) offsets(%dma_start3A_33 : memref<125xi32, #tpu.memory_space<vmem>>) semaphore(%arg14 : memref<!tpu.dma_semaphore, #tpu.memory_space<semaphore_mem>>)
    %lt3A_37 = arith.constant 15 : i32
    %lt3A_38 = arith.cmpi slt, %arg1, %lt3A_37 : i32
    %convert_element_type3A_39 = arith.extui %lt3A_38 : i1 to i32
    %cond3A_40 = arith.constant 0 : i32
    %cond3A_41 = arith.cmpi ne, %convert_element_type3A_39, %cond3A_40 : i32
    scf.if %cond3A_41 {
      %mul3A_125 = arith.constant 640 : i32
      %mul3A_126 = arith.muli %arg1, %mul3A_125 : i32
      %mul3A_127 = arith.constant 640 : i32
      %mul3A_128 = arith.muli %arg1, %mul3A_127 : i32
      %dma_wait3A_129 = arith.constant 0 : i32
      %dma_wait3A_130 = tpu.memref_slice %arg8[%mul3A_128, %dma_wait3A_129] : memref<10000x128xf32, #tpu.memory_space<vmem_shared>> -> memref<640x128xf32, #tpu.memory_space<vmem_shared>>
      %dma_wait3A_131 = arith.constant 0 : i32
      %dma_wait3A_132 = tpu.memref_slice %arg5[%mul3A_126, %dma_wait3A_131] : memref<10000x128xf32, #tpu.memory_space<hbm>> -> memref<640x128xf32, #tpu.memory_space<hbm>>
      tpu.wait_dma2 semaphore(%arg15 : memref<!tpu.dma_semaphore, #tpu.memory_space<semaphore_mem>>) src(%dma_wait3A_132 : memref<640x128xf32, #tpu.memory_space<hbm>>) dst(%dma_wait3A_130 : memref<640x128xf32, #tpu.memory_space<vmem_shared>>)
    } else {
    }
    %eq3A_42 = arith.constant 15 : i32
    %eq3A_43 = arith.cmpi eq, %arg1, %eq3A_42 : i32
    %convert_element_type3A_44 = arith.extui %eq3A_43 : i1 to i32
    %cond3A_45 = arith.constant 0 : i32
    %cond3A_46 = arith.cmpi ne, %convert_element_type3A_44, %cond3A_45 : i32
    scf.if %cond3A_46 {
      %dma_wait3A_125 = arith.constant 9600 : i32
      %dma_wait3A_126 = arith.constant 0 : i32
      %dma_wait3A_127 = tpu.memref_slice %arg8[%dma_wait3A_125, %dma_wait3A_126] : memref<10000x128xf32, #tpu.memory_space<vmem_shared>> -> memref<400x128xf32, #tpu.memory_space<vmem_shared>>
      %dma_wait3A_128 = arith.constant 9600 : i32
      %dma_wait3A_129 = arith.constant 0 : i32
      %dma_wait3A_130 = tpu.memref_slice %arg5[%dma_wait3A_128, %dma_wait3A_129] : memref<10000x128xf32, #tpu.memory_space<hbm>> -> memref<400x128xf32, #tpu.memory_space<hbm>>
      tpu.wait_dma2 semaphore(%arg15 : memref<!tpu.dma_semaphore, #tpu.memory_space<semaphore_mem>>) src(%dma_wait3A_130 : memref<400x128xf32, #tpu.memory_space<hbm>>) dst(%dma_wait3A_127 : memref<400x128xf32, #tpu.memory_space<vmem_shared>>)
    } else {
    }
    %barrier3A = arith.constant 0 : index
    tpu.barrier barrier_id(%barrier3A)
    %scan3A = arith.constant 0 : i32
    %scan3A_47 = arith.constant 0 : i32
    %scan3A_48 = arith.constant 20 : i32
    %scan3A_49 = arith.addi %scan3A_47, %scan3A_48 : i32
    %scan3A_50 = arith.constant 1 : i32
    scf.for %scan3A_125 = %scan3A_47 to %scan3A_49 step %scan3A_50  : i32 {
      %mul3A_126 = arith.constant 2 : i32
      %mul3A_127 = arith.muli %mul3A_126, %scan3A_125 : i32
      %dma_wait3A_128 = arith.constant 0 : i32
      %dma_wait3A_129 = tpu.memref_slice %arg9[%mul3A_127, %dma_wait3A_128] : memref<40x125xi32, #tpu.memory_space<vmem>> -> memref<1x125xi32, #tpu.memory_space<vmem>>
      %dma_wait3A_130 = tpu.memref_squeeze %dma_wait3A_129 : memref<1x125xi32, #tpu.memory_space<vmem>> -> memref<125xi32, #tpu.memory_space<vmem>>
      %dma_wait3A_131 = arith.constant 0 : i32
      %dma_wait3A_132 = arith.constant 0 : i32
      %dma_wait3A_133 = tpu.memref_slice %arg2[%dma_wait3A_131, %dma_wait3A_132] : memref<10000x128xf32, #tpu.memory_space<hbm>> -> memref<10000x128xf32, #tpu.memory_space<hbm>>
      tpu.wait_indirect_dma semaphore(%arg13 : memref<!tpu.dma_semaphore, #tpu.memory_space<semaphore_mem>>) src(%dma_wait3A_133 : memref<10000x128xf32, #tpu.memory_space<hbm>>) dst(%arg11 : memref<125x128xf32, #tpu.memory_space<vmem>>)
      "tpu.region"() ({
        %run_scoped3A_158 = tpu.sem_alloc : memref<!tpu.dma_semaphore, #tpu.memory_space<semaphore_mem>>
        %dma_start3A_159 = arith.constant 0 : i32
        %dma_start3A_160 = tpu.memref_slice %arg10[%mul3A_127, %dma_start3A_159] : memref<40x125xi32, #tpu.memory_space<vmem>> -> memref<1x125xi32, #tpu.memory_space<vmem>>
        %dma_start3A_161 = tpu.memref_squeeze %dma_start3A_160 : memref<1x125xi32, #tpu.memory_space<vmem>> -> memref<125xi32, #tpu.memory_space<vmem>>
        %dma_start3A_162 = arith.constant 0 : i32
        %dma_start3A_163 = arith.constant 0 : i32
        %dma_start3A_164 = tpu.memref_slice %arg8[%dma_start3A_162, %dma_start3A_163] : memref<10000x128xf32, #tpu.memory_space<vmem_shared>> -> memref<10000x128xf32, #tpu.memory_space<vmem_shared>>
        tpu.enqueue_indirect_dma source(%arg11 : memref<125x128xf32, #tpu.memory_space<vmem>>) target(%dma_start3A_164 : memref<10000x128xf32, #tpu.memory_space<vmem_shared>>) offsets(%dma_start3A_161 : memref<125xi32, #tpu.memory_space<vmem>>) semaphore(%run_scoped3A_158 : memref<!tpu.dma_semaphore, #tpu.memory_space<semaphore_mem>>) {add = true}
        %dma_wait3A_165 = arith.constant 0 : i32
        %dma_wait3A_166 = tpu.memref_slice %arg10[%mul3A_127, %dma_wait3A_165] : memref<40x125xi32, #tpu.memory_space<vmem>> -> memref<1x125xi32, #tpu.memory_space<vmem>>
        %dma_wait3A_167 = tpu.memref_squeeze %dma_wait3A_166 : memref<1x125xi32, #tpu.memory_space<vmem>> -> memref<125xi32, #tpu.memory_space<vmem>>
        %dma_wait3A_168 = arith.constant 0 : i32
        %dma_wait3A_169 = arith.constant 0 : i32
        %dma_wait3A_170 = tpu.memref_slice %arg8[%dma_wait3A_168, %dma_wait3A_169] : memref<10000x128xf32, #tpu.memory_space<vmem_shared>> -> memref<10000x128xf32, #tpu.memory_space<vmem_shared>>
        tpu.wait_indirect_dma semaphore(%run_scoped3A_158 : memref<!tpu.dma_semaphore, #tpu.memory_space<semaphore_mem>>) src(%arg11 : memref<125x128xf32, #tpu.memory_space<vmem>>) dst(%dma_wait3A_170 : memref<10000x128xf32, #tpu.memory_space<vmem_shared>>)
        tpu.yield
      }) : () -> ()
      %add3A_134 = arith.constant 2 : i32
      %add3A_135 = arith.addi %mul3A_127, %add3A_134 : i32
      %lt3A_136 = arith.constant 40 : i32
      %lt3A_137 = arith.cmpi slt, %add3A_135, %lt3A_136 : i32
      %convert_element_type3A_138 = arith.extui %lt3A_137 : i1 to i32
      %cond3A_139 = arith.constant 0 : i32
      %cond3A_140 = arith.cmpi ne, %convert_element_type3A_138, %cond3A_139 : i32
      scf.if %cond3A_140 {
        %add3A_158 = arith.constant 2 : i32
        %add3A_159 = arith.addi %mul3A_127, %add3A_158 : i32
        %dma_start3A_160 = arith.constant 0 : i32
        %dma_start3A_161 = tpu.memref_slice %arg9[%add3A_159, %dma_start3A_160] : memref<40x125xi32, #tpu.memory_space<vmem>> -> memref<1x125xi32, #tpu.memory_space<vmem>>
        %dma_start3A_162 = tpu.memref_squeeze %dma_start3A_161 : memref<1x125xi32, #tpu.memory_space<vmem>> -> memref<125xi32, #tpu.memory_space<vmem>>
        %dma_start3A_163 = arith.constant 0 : i32
        %dma_start3A_164 = arith.constant 0 : i32
        %dma_start3A_165 = tpu.memref_slice %arg2[%dma_start3A_163, %dma_start3A_164] : memref<10000x128xf32, #tpu.memory_space<hbm>> -> memref<10000x128xf32, #tpu.memory_space<hbm>>
        tpu.enqueue_indirect_dma source(%dma_start3A_165 : memref<10000x128xf32, #tpu.memory_space<hbm>>) target(%arg11 : memref<125x128xf32, #tpu.memory_space<vmem>>) offsets(%dma_start3A_162 : memref<125xi32, #tpu.memory_space<vmem>>) semaphore(%arg13 : memref<!tpu.dma_semaphore, #tpu.memory_space<semaphore_mem>>)
      } else {
      }
      %add3A_141 = arith.constant 1 : i32
      %add3A_142 = arith.addi %mul3A_127, %add3A_141 : i32
      %dma_wait3A_143 = arith.constant 0 : i32
      %dma_wait3A_144 = tpu.memref_slice %arg9[%add3A_142, %dma_wait3A_143] : memref<40x125xi32, #tpu.memory_space<vmem>> -> memref<1x125xi32, #tpu.memory_space<vmem>>
      %dma_wait3A_145 = tpu.memref_squeeze %dma_wait3A_144 : memref<1x125xi32, #tpu.memory_space<vmem>> -> memref<125xi32, #tpu.memory_space<vmem>>
      %dma_wait3A_146 = arith.constant 0 : i32
      %dma_wait3A_147 = arith.constant 0 : i32
      %dma_wait3A_148 = tpu.memref_slice %arg2[%dma_wait3A_146, %dma_wait3A_147] : memref<10000x128xf32, #tpu.memory_space<hbm>> -> memref<10000x128xf32, #tpu.memory_space<hbm>>
      tpu.wait_indirect_dma semaphore(%arg14 : memref<!tpu.dma_semaphore, #tpu.memory_space<semaphore_mem>>) src(%dma_wait3A_148 : memref<10000x128xf32, #tpu.memory_space<hbm>>) dst(%arg12 : memref<125x128xf32, #tpu.memory_space<vmem>>)
      %add3A_149 = arith.constant 1 : i32
      %add3A_150 = arith.addi %mul3A_127, %add3A_149 : i32
      "tpu.region"() ({
        %run_scoped3A_158 = tpu.sem_alloc : memref<!tpu.dma_semaphore, #tpu.memory_space<semaphore_mem>>
        %dma_start3A_159 = arith.constant 0 : i32
        %dma_start3A_160 = tpu.memref_slice %arg10[%add3A_150, %dma_start3A_159] : memref<40x125xi32, #tpu.memory_space<vmem>> -> memref<1x125xi32, #tpu.memory_space<vmem>>
        %dma_start3A_161 = tpu.memref_squeeze %dma_start3A_160 : memref<1x125xi32, #tpu.memory_space<vmem>> -> memref<125xi32, #tpu.memory_space<vmem>>
        %dma_start3A_162 = arith.constant 0 : i32
        %dma_start3A_163 = arith.constant 0 : i32
        %dma_start3A_164 = tpu.memref_slice %arg8[%dma_start3A_162, %dma_start3A_163] : memref<10000x128xf32, #tpu.memory_space<vmem_shared>> -> memref<10000x128xf32, #tpu.memory_space<vmem_shared>>
        tpu.enqueue_indirect_dma source(%arg12 : memref<125x128xf32, #tpu.memory_space<vmem>>) target(%dma_start3A_164 : memref<10000x128xf32, #tpu.memory_space<vmem_shared>>) offsets(%dma_start3A_161 : memref<125xi32, #tpu.memory_space<vmem>>) semaphore(%run_scoped3A_158 : memref<!tpu.dma_semaphore, #tpu.memory_space<semaphore_mem>>) {add = true}
        %dma_wait3A_165 = arith.constant 0 : i32
        %dma_wait3A_166 = tpu.memref_slice %arg10[%add3A_150, %dma_wait3A_165] : memref<40x125xi32, #tpu.memory_space<vmem>> -> memref<1x125xi32, #tpu.memory_space<vmem>>
        %dma_wait3A_167 = tpu.memref_squeeze %dma_wait3A_166 : memref<1x125xi32, #tpu.memory_space<vmem>> -> memref<125xi32, #tpu.memory_space<vmem>>
        %dma_wait3A_168 = arith.constant 0 : i32
        %dma_wait3A_169 = arith.constant 0 : i32
        %dma_wait3A_170 = tpu.memref_slice %arg8[%dma_wait3A_168, %dma_wait3A_169] : memref<10000x128xf32, #tpu.memory_space<vmem_shared>> -> memref<10000x128xf32, #tpu.memory_space<vmem_shared>>
        tpu.wait_indirect_dma semaphore(%run_scoped3A_158 : memref<!tpu.dma_semaphore, #tpu.memory_space<semaphore_mem>>) src(%arg12 : memref<125x128xf32, #tpu.memory_space<vmem>>) dst(%dma_wait3A_170 : memref<10000x128xf32, #tpu.memory_space<vmem_shared>>)
        tpu.yield
      }) : () -> ()
      %add3A_151 = arith.constant 3 : i32
      %add3A_152 = arith.addi %mul3A_127, %add3A_151 : i32
      %lt3A_153 = arith.constant 40 : i32
      %lt3A_154 = arith.cmpi slt, %add3A_152, %lt3A_153 : i32
      %convert_element_type3A_155 = arith.extui %lt3A_154 : i1 to i32
      %cond3A_156 = arith.constant 0 : i32
      %cond3A_157 = arith.cmpi ne, %convert_element_type3A_155, %cond3A_156 : i32
      scf.if %cond3A_157 {
        %add3A_158 = arith.constant 3 : i32
        %add3A_159 = arith.addi %mul3A_127, %add3A_158 : i32
        %dma_start3A_160 = arith.constant 0 : i32
        %dma_start3A_161 = tpu.memref_slice %arg9[%add3A_159, %dma_start3A_160] : memref<40x125xi32, #tpu.memory_space<vmem>> -> memref<1x125xi32, #tpu.memory_space<vmem>>
        %dma_start3A_162 = tpu.memref_squeeze %dma_start3A_161 : memref<1x125xi32, #tpu.memory_space<vmem>> -> memref<125xi32, #tpu.memory_space<vmem>>
        %dma_start3A_163 = arith.constant 0 : i32
        %dma_start3A_164 = arith.constant 0 : i32
        %dma_start3A_165 = tpu.memref_slice %arg2[%dma_start3A_163, %dma_start3A_164] : memref<10000x128xf32, #tpu.memory_space<hbm>> -> memref<10000x128xf32, #tpu.memory_space<hbm>>
        tpu.enqueue_indirect_dma source(%dma_start3A_165 : memref<10000x128xf32, #tpu.memory_space<hbm>>) target(%arg12 : memref<125x128xf32, #tpu.memory_space<vmem>>) offsets(%dma_start3A_162 : memref<125xi32, #tpu.memory_space<vmem>>) semaphore(%arg14 : memref<!tpu.dma_semaphore, #tpu.memory_space<semaphore_mem>>)
      } else {
      }
    }
    %scan3A_51 = arith.constant 20 : i32
    %dma_start3A_52 = arith.constant 1 : i32
    %dma_start3A_53 = arith.constant 0 : i32
    %dma_start3A_54 = arith.constant 0 : i32
    %dma_start3A_55 = tpu.memref_slice %arg3[%add3A, %dma_start3A_52, %dma_start3A_53, %dma_start3A_54] : memref<32x2x40x125xi32, #tpu.memory_space<hbm>> -> memref<1x1x40x125xi32, #tpu.memory_space<hbm>>
    %dma_start3A_56 = tpu.memref_squeeze %dma_start3A_55 : memref<1x1x40x125xi32, #tpu.memory_space<hbm>> -> memref<40x125xi32, #tpu.memory_space<hbm>>
    %dma_start3A_57 = arith.constant 0 : i32
    %dma_start3A_58 = arith.constant 0 : i32
    %dma_start3A_59 = tpu.memref_slice %arg3[%add3A, %dma_start3A_52, %dma_start3A_57, %dma_start3A_58] : memref<32x2x40x125xi32, #tpu.memory_space<hbm>> -> memref<1x1x40x125xi32, #tpu.memory_space<hbm>>
    %dma_start3A_60 = tpu.memref_squeeze %dma_start3A_59 : memref<1x1x40x125xi32, #tpu.memory_space<hbm>> -> memref<40x125xi32, #tpu.memory_space<hbm>>
    tpu.enqueue_dma source(%dma_start3A_60 : memref<40x125xi32, #tpu.memory_space<hbm>>) target(%arg9 : memref<40x125xi32, #tpu.memory_space<vmem>>) target_semaphore(%arg16 : memref<!tpu.dma_semaphore, #tpu.memory_space<semaphore_mem>>)
    %run_scoped3A_61 = arith.constant 1 : i32
    "tpu.region"() ({
      %run_scoped3A_125 = tpu.sem_alloc : memref<!tpu.dma_semaphore, #tpu.memory_space<semaphore_mem>>
      %dma_start3A_126 = arith.constant 0 : i32
      %dma_start3A_127 = arith.constant 0 : i32
      %dma_start3A_128 = tpu.memref_slice %arg4[%add3A, %run_scoped3A_61, %dma_start3A_126, %dma_start3A_127] : memref<32x2x40x125xi32, #tpu.memory_space<hbm>> -> memref<1x1x40x125xi32, #tpu.memory_space<hbm>>
      %dma_start3A_129 = tpu.memref_squeeze %dma_start3A_128 : memref<1x1x40x125xi32, #tpu.memory_space<hbm>> -> memref<40x125xi32, #tpu.memory_space<hbm>>
      %dma_start3A_130 = arith.constant 0 : i32
      %dma_start3A_131 = arith.constant 0 : i32
      %dma_start3A_132 = tpu.memref_slice %arg4[%add3A, %run_scoped3A_61, %dma_start3A_130, %dma_start3A_131] : memref<32x2x40x125xi32, #tpu.memory_space<hbm>> -> memref<1x1x40x125xi32, #tpu.memory_space<hbm>>
      %dma_start3A_133 = tpu.memref_squeeze %dma_start3A_132 : memref<1x1x40x125xi32, #tpu.memory_space<hbm>> -> memref<40x125xi32, #tpu.memory_space<hbm>>
      tpu.enqueue_dma source(%dma_start3A_133 : memref<40x125xi32, #tpu.memory_space<hbm>>) target(%arg10 : memref<40x125xi32, #tpu.memory_space<vmem>>) target_semaphore(%run_scoped3A_125 : memref<!tpu.dma_semaphore, #tpu.memory_space<semaphore_mem>>)
      %dma_wait3A_134 = arith.constant 0 : i32
      %dma_wait3A_135 = arith.constant 0 : i32
      %dma_wait3A_136 = tpu.memref_slice %arg4[%add3A, %run_scoped3A_61, %dma_wait3A_134, %dma_wait3A_135] : memref<32x2x40x125xi32, #tpu.memory_space<hbm>> -> memref<1x1x40x125xi32, #tpu.memory_space<hbm>>
      %dma_wait3A_137 = tpu.memref_squeeze %dma_wait3A_136 : memref<1x1x40x125xi32, #tpu.memory_space<hbm>> -> memref<40x125xi32, #tpu.memory_space<hbm>>
      %dma_wait3A_138 = arith.constant 0 : i32
      %dma_wait3A_139 = arith.constant 0 : i32
      %dma_wait3A_140 = tpu.memref_slice %arg4[%add3A, %run_scoped3A_61, %dma_wait3A_138, %dma_wait3A_139] : memref<32x2x40x125xi32, #tpu.memory_space<hbm>> -> memref<1x1x40x125xi32, #tpu.memory_space<hbm>>
      %dma_wait3A_141 = tpu.memref_squeeze %dma_wait3A_140 : memref<1x1x40x125xi32, #tpu.memory_space<hbm>> -> memref<40x125xi32, #tpu.memory_space<hbm>>
      tpu.wait_dma2 semaphore(%run_scoped3A_125 : memref<!tpu.dma_semaphore, #tpu.memory_space<semaphore_mem>>) src(%dma_wait3A_141 : memref<40x125xi32, #tpu.memory_space<hbm>>) dst(%arg10 : memref<40x125xi32, #tpu.memory_space<vmem>>)
      tpu.yield
    }) : () -> ()
    %dma_wait3A_62 = arith.constant 1 : i32
    %dma_wait3A_63 = arith.constant 0 : i32
    %dma_wait3A_64 = arith.constant 0 : i32
    %dma_wait3A_65 = tpu.memref_slice %arg3[%add3A, %dma_wait3A_62, %dma_wait3A_63, %dma_wait3A_64] : memref<32x2x40x125xi32, #tpu.memory_space<hbm>> -> memref<1x1x40x125xi32, #tpu.memory_space<hbm>>
    %dma_wait3A_66 = tpu.memref_squeeze %dma_wait3A_65 : memref<1x1x40x125xi32, #tpu.memory_space<hbm>> -> memref<40x125xi32, #tpu.memory_space<hbm>>
    %dma_wait3A_67 = arith.constant 0 : i32
    %dma_wait3A_68 = arith.constant 0 : i32
    %dma_wait3A_69 = tpu.memref_slice %arg3[%add3A, %dma_wait3A_62, %dma_wait3A_67, %dma_wait3A_68] : memref<32x2x40x125xi32, #tpu.memory_space<hbm>> -> memref<1x1x40x125xi32, #tpu.memory_space<hbm>>
    %dma_wait3A_70 = tpu.memref_squeeze %dma_wait3A_69 : memref<1x1x40x125xi32, #tpu.memory_space<hbm>> -> memref<40x125xi32, #tpu.memory_space<hbm>>
    tpu.wait_dma2 semaphore(%arg16 : memref<!tpu.dma_semaphore, #tpu.memory_space<semaphore_mem>>) src(%dma_wait3A_70 : memref<40x125xi32, #tpu.memory_space<hbm>>) dst(%arg9 : memref<40x125xi32, #tpu.memory_space<vmem>>)
    %dma_start3A_71 = arith.constant 0 : i32
    %dma_start3A_72 = arith.constant 0 : i32
    %dma_start3A_73 = tpu.memref_slice %arg9[%dma_start3A_71, %dma_start3A_72] : memref<40x125xi32, #tpu.memory_space<vmem>> -> memref<1x125xi32, #tpu.memory_space<vmem>>
    %dma_start3A_74 = tpu.memref_squeeze %dma_start3A_73 : memref<1x125xi32, #tpu.memory_space<vmem>> -> memref<125xi32, #tpu.memory_space<vmem>>
    %dma_start3A_75 = arith.constant 0 : i32
    %dma_start3A_76 = arith.constant 0 : i32
    %dma_start3A_77 = tpu.memref_slice %arg2[%dma_start3A_75, %dma_start3A_76] : memref<10000x128xf32, #tpu.memory_space<hbm>> -> memref<10000x128xf32, #tpu.memory_space<hbm>>
    tpu.enqueue_indirect_dma source(%dma_start3A_77 : memref<10000x128xf32, #tpu.memory_space<hbm>>) target(%arg11 : memref<125x128xf32, #tpu.memory_space<vmem>>) offsets(%dma_start3A_74 : memref<125xi32, #tpu.memory_space<vmem>>) semaphore(%arg13 : memref<!tpu.dma_semaphore, #tpu.memory_space<semaphore_mem>>)
    %dma_start3A_78 = arith.constant 1 : i32
    %dma_start3A_79 = arith.constant 0 : i32
    %dma_start3A_80 = tpu.memref_slice %arg9[%dma_start3A_78, %dma_start3A_79] : memref<40x125xi32, #tpu.memory_space<vmem>> -> memref<1x125xi32, #tpu.memory_space<vmem>>
    %dma_start3A_81 = tpu.memref_squeeze %dma_start3A_80 : memref<1x125xi32, #tpu.memory_space<vmem>> -> memref<125xi32, #tpu.memory_space<vmem>>
    %dma_start3A_82 = arith.constant 0 : i32
    %dma_start3A_83 = arith.constant 0 : i32
    %dma_start3A_84 = tpu.memref_slice %arg2[%dma_start3A_82, %dma_start3A_83] : memref<10000x128xf32, #tpu.memory_space<hbm>> -> memref<10000x128xf32, #tpu.memory_space<hbm>>
    tpu.enqueue_indirect_dma source(%dma_start3A_84 : memref<10000x128xf32, #tpu.memory_space<hbm>>) target(%arg12 : memref<125x128xf32, #tpu.memory_space<vmem>>) offsets(%dma_start3A_81 : memref<125xi32, #tpu.memory_space<vmem>>) semaphore(%arg14 : memref<!tpu.dma_semaphore, #tpu.memory_space<semaphore_mem>>)
    %scan3A_85 = arith.constant 0 : i32
    %scan3A_86 = arith.constant 0 : i32
    %scan3A_87 = arith.constant 20 : i32
    %scan3A_88 = arith.addi %scan3A_86, %scan3A_87 : i32
    %scan3A_89 = arith.constant 1 : i32
    scf.for %scan3A_125 = %scan3A_86 to %scan3A_88 step %scan3A_89  : i32 {
      %mul3A_126 = arith.constant 2 : i32
      %mul3A_127 = arith.muli %mul3A_126, %scan3A_125 : i32
      %dma_wait3A_128 = arith.constant 0 : i32
      %dma_wait3A_129 = tpu.memref_slice %arg9[%mul3A_127, %dma_wait3A_128] : memref<40x125xi32, #tpu.memory_space<vmem>> -> memref<1x125xi32, #tpu.memory_space<vmem>>
      %dma_wait3A_130 = tpu.memref_squeeze %dma_wait3A_129 : memref<1x125xi32, #tpu.memory_space<vmem>> -> memref<125xi32, #tpu.memory_space<vmem>>
      %dma_wait3A_131 = arith.constant 0 : i32
      %dma_wait3A_132 = arith.constant 0 : i32
      %dma_wait3A_133 = tpu.memref_slice %arg2[%dma_wait3A_131, %dma_wait3A_132] : memref<10000x128xf32, #tpu.memory_space<hbm>> -> memref<10000x128xf32, #tpu.memory_space<hbm>>
      tpu.wait_indirect_dma semaphore(%arg13 : memref<!tpu.dma_semaphore, #tpu.memory_space<semaphore_mem>>) src(%dma_wait3A_133 : memref<10000x128xf32, #tpu.memory_space<hbm>>) dst(%arg11 : memref<125x128xf32, #tpu.memory_space<vmem>>)
      "tpu.region"() ({
        %run_scoped3A_158 = tpu.sem_alloc : memref<!tpu.dma_semaphore, #tpu.memory_space<semaphore_mem>>
        %dma_start3A_159 = arith.constant 0 : i32
        %dma_start3A_160 = tpu.memref_slice %arg10[%mul3A_127, %dma_start3A_159] : memref<40x125xi32, #tpu.memory_space<vmem>> -> memref<1x125xi32, #tpu.memory_space<vmem>>
        %dma_start3A_161 = tpu.memref_squeeze %dma_start3A_160 : memref<1x125xi32, #tpu.memory_space<vmem>> -> memref<125xi32, #tpu.memory_space<vmem>>
        %dma_start3A_162 = arith.constant 0 : i32
        %dma_start3A_163 = arith.constant 0 : i32
        %dma_start3A_164 = tpu.memref_slice %arg8[%dma_start3A_162, %dma_start3A_163] : memref<10000x128xf32, #tpu.memory_space<vmem_shared>> -> memref<10000x128xf32, #tpu.memory_space<vmem_shared>>
        tpu.enqueue_indirect_dma source(%arg11 : memref<125x128xf32, #tpu.memory_space<vmem>>) target(%dma_start3A_164 : memref<10000x128xf32, #tpu.memory_space<vmem_shared>>) offsets(%dma_start3A_161 : memref<125xi32, #tpu.memory_space<vmem>>) semaphore(%run_scoped3A_158 : memref<!tpu.dma_semaphore, #tpu.memory_space<semaphore_mem>>) {add = true}
        %dma_wait3A_165 = arith.constant 0 : i32
        %dma_wait3A_166 = tpu.memref_slice %arg10[%mul3A_127, %dma_wait3A_165] : memref<40x125xi32, #tpu.memory_space<vmem>> -> memref<1x125xi32, #tpu.memory_space<vmem>>
        %dma_wait3A_167 = tpu.memref_squeeze %dma_wait3A_166 : memref<1x125xi32, #tpu.memory_space<vmem>> -> memref<125xi32, #tpu.memory_space<vmem>>
        %dma_wait3A_168 = arith.constant 0 : i32
        %dma_wait3A_169 = arith.constant 0 : i32
        %dma_wait3A_170 = tpu.memref_slice %arg8[%dma_wait3A_168, %dma_wait3A_169] : memref<10000x128xf32, #tpu.memory_space<vmem_shared>> -> memref<10000x128xf32, #tpu.memory_space<vmem_shared>>
        tpu.wait_indirect_dma semaphore(%run_scoped3A_158 : memref<!tpu.dma_semaphore, #tpu.memory_space<semaphore_mem>>) src(%arg11 : memref<125x128xf32, #tpu.memory_space<vmem>>) dst(%dma_wait3A_170 : memref<10000x128xf32, #tpu.memory_space<vmem_shared>>)
        tpu.yield
      }) : () -> ()
      %add3A_134 = arith.constant 2 : i32
      %add3A_135 = arith.addi %mul3A_127, %add3A_134 : i32
      %lt3A_136 = arith.constant 40 : i32
      %lt3A_137 = arith.cmpi slt, %add3A_135, %lt3A_136 : i32
      %convert_element_type3A_138 = arith.extui %lt3A_137 : i1 to i32
      %cond3A_139 = arith.constant 0 : i32
      %cond3A_140 = arith.cmpi ne, %convert_element_type3A_138, %cond3A_139 : i32
      scf.if %cond3A_140 {
        %add3A_158 = arith.constant 2 : i32
        %add3A_159 = arith.addi %mul3A_127, %add3A_158 : i32
        %dma_start3A_160 = arith.constant 0 : i32
        %dma_start3A_161 = tpu.memref_slice %arg9[%add3A_159, %dma_start3A_160] : memref<40x125xi32, #tpu.memory_space<vmem>> -> memref<1x125xi32, #tpu.memory_space<vmem>>
        %dma_start3A_162 = tpu.memref_squeeze %dma_start3A_161 : memref<1x125xi32, #tpu.memory_space<vmem>> -> memref<125xi32, #tpu.memory_space<vmem>>
        %dma_start3A_163 = arith.constant 0 : i32
        %dma_start3A_164 = arith.constant 0 : i32
        %dma_start3A_165 = tpu.memref_slice %arg2[%dma_start3A_163, %dma_start3A_164] : memref<10000x128xf32, #tpu.memory_space<hbm>> -> memref<10000x128xf32, #tpu.memory_space<hbm>>
        tpu.enqueue_indirect_dma source(%dma_start3A_165 : memref<10000x128xf32, #tpu.memory_space<hbm>>) target(%arg11 : memref<125x128xf32, #tpu.memory_space<vmem>>) offsets(%dma_start3A_162 : memref<125xi32, #tpu.memory_space<vmem>>) semaphore(%arg13 : memref<!tpu.dma_semaphore, #tpu.memory_space<semaphore_mem>>)
      } else {
      }
      %add3A_141 = arith.constant 1 : i32
      %add3A_142 = arith.addi %mul3A_127, %add3A_141 : i32
      %dma_wait3A_143 = arith.constant 0 : i32
      %dma_wait3A_144 = tpu.memref_slice %arg9[%add3A_142, %dma_wait3A_143] : memref<40x125xi32, #tpu.memory_space<vmem>> -> memref<1x125xi32, #tpu.memory_space<vmem>>
      %dma_wait3A_145 = tpu.memref_squeeze %dma_wait3A_144 : memref<1x125xi32, #tpu.memory_space<vmem>> -> memref<125xi32, #tpu.memory_space<vmem>>
      %dma_wait3A_146 = arith.constant 0 : i32
      %dma_wait3A_147 = arith.constant 0 : i32
      %dma_wait3A_148 = tpu.memref_slice %arg2[%dma_wait3A_146, %dma_wait3A_147] : memref<10000x128xf32, #tpu.memory_space<hbm>> -> memref<10000x128xf32, #tpu.memory_space<hbm>>
      tpu.wait_indirect_dma semaphore(%arg14 : memref<!tpu.dma_semaphore, #tpu.memory_space<semaphore_mem>>) src(%dma_wait3A_148 : memref<10000x128xf32, #tpu.memory_space<hbm>>) dst(%arg12 : memref<125x128xf32, #tpu.memory_space<vmem>>)
      %add3A_149 = arith.constant 1 : i32
      %add3A_150 = arith.addi %mul3A_127, %add3A_149 : i32
      "tpu.region"() ({
        %run_scoped3A_158 = tpu.sem_alloc : memref<!tpu.dma_semaphore, #tpu.memory_space<semaphore_mem>>
        %dma_start3A_159 = arith.constant 0 : i32
        %dma_start3A_160 = tpu.memref_slice %arg10[%add3A_150, %dma_start3A_159] : memref<40x125xi32, #tpu.memory_space<vmem>> -> memref<1x125xi32, #tpu.memory_space<vmem>>
        %dma_start3A_161 = tpu.memref_squeeze %dma_start3A_160 : memref<1x125xi32, #tpu.memory_space<vmem>> -> memref<125xi32, #tpu.memory_space<vmem>>
        %dma_start3A_162 = arith.constant 0 : i32
        %dma_start3A_163 = arith.constant 0 : i32
        %dma_start3A_164 = tpu.memref_slice %arg8[%dma_start3A_162, %dma_start3A_163] : memref<10000x128xf32, #tpu.memory_space<vmem_shared>> -> memref<10000x128xf32, #tpu.memory_space<vmem_shared>>
        tpu.enqueue_indirect_dma source(%arg12 : memref<125x128xf32, #tpu.memory_space<vmem>>) target(%dma_start3A_164 : memref<10000x128xf32, #tpu.memory_space<vmem_shared>>) offsets(%dma_start3A_161 : memref<125xi32, #tpu.memory_space<vmem>>) semaphore(%run_scoped3A_158 : memref<!tpu.dma_semaphore, #tpu.memory_space<semaphore_mem>>) {add = true}
        %dma_wait3A_165 = arith.constant 0 : i32
        %dma_wait3A_166 = tpu.memref_slice %arg10[%add3A_150, %dma_wait3A_165] : memref<40x125xi32, #tpu.memory_space<vmem>> -> memref<1x125xi32, #tpu.memory_space<vmem>>
        %dma_wait3A_167 = tpu.memref_squeeze %dma_wait3A_166 : memref<1x125xi32, #tpu.memory_space<vmem>> -> memref<125xi32, #tpu.memory_space<vmem>>
        %dma_wait3A_168 = arith.constant 0 : i32
        %dma_wait3A_169 = arith.constant 0 : i32
        %dma_wait3A_170 = tpu.memref_slice %arg8[%dma_wait3A_168, %dma_wait3A_169] : memref<10000x128xf32, #tpu.memory_space<vmem_shared>> -> memref<10000x128xf32, #tpu.memory_space<vmem_shared>>
        tpu.wait_indirect_dma semaphore(%run_scoped3A_158 : memref<!tpu.dma_semaphore, #tpu.memory_space<semaphore_mem>>) src(%arg12 : memref<125x128xf32, #tpu.memory_space<vmem>>) dst(%dma_wait3A_170 : memref<10000x128xf32, #tpu.memory_space<vmem_shared>>)
        tpu.yield
      }) : () -> ()
      %add3A_151 = arith.constant 3 : i32
      %add3A_152 = arith.addi %mul3A_127, %add3A_151 : i32
      %lt3A_153 = arith.constant 40 : i32
      %lt3A_154 = arith.cmpi slt, %add3A_152, %lt3A_153 : i32
      %convert_element_type3A_155 = arith.extui %lt3A_154 : i1 to i32
      %cond3A_156 = arith.constant 0 : i32
      %cond3A_157 = arith.cmpi ne, %convert_element_type3A_155, %cond3A_156 : i32
      scf.if %cond3A_157 {
        %add3A_158 = arith.constant 3 : i32
        %add3A_159 = arith.addi %mul3A_127, %add3A_158 : i32
        %dma_start3A_160 = arith.constant 0 : i32
        %dma_start3A_161 = tpu.memref_slice %arg9[%add3A_159, %dma_start3A_160] : memref<40x125xi32, #tpu.memory_space<vmem>> -> memref<1x125xi32, #tpu.memory_space<vmem>>
        %dma_start3A_162 = tpu.memref_squeeze %dma_start3A_161 : memref<1x125xi32, #tpu.memory_space<vmem>> -> memref<125xi32, #tpu.memory_space<vmem>>
        %dma_start3A_163 = arith.constant 0 : i32
        %dma_start3A_164 = arith.constant 0 : i32
        %dma_start3A_165 = tpu.memref_slice %arg2[%dma_start3A_163, %dma_start3A_164] : memref<10000x128xf32, #tpu.memory_space<hbm>> -> memref<10000x128xf32, #tpu.memory_space<hbm>>
        tpu.enqueue_indirect_dma source(%dma_start3A_165 : memref<10000x128xf32, #tpu.memory_space<hbm>>) target(%arg12 : memref<125x128xf32, #tpu.memory_space<vmem>>) offsets(%dma_start3A_162 : memref<125xi32, #tpu.memory_space<vmem>>) semaphore(%arg14 : memref<!tpu.dma_semaphore, #tpu.memory_space<semaphore_mem>>)
      } else {
      }
    }
    %scan3A_90 = arith.constant 20 : i32
    %barrier3A_91 = arith.constant 0 : index
    tpu.barrier barrier_id(%barrier3A_91)
    %mul3A_92 = arith.constant 640 : i32
    %mul3A_93 = arith.muli %arg1, %mul3A_92 : i32
    %eq3A_94 = arith.constant 0 : i32
    %eq3A_95 = arith.cmpi eq, %arg0, %eq3A_94 : i32
    %lt3A_96 = arith.constant 15 : i32
    %lt3A_97 = arith.cmpi slt, %arg1, %lt3A_96 : i32
    %and3A = arith.andi %eq3A_95, %lt3A_97 : i1
    %convert_element_type3A_98 = arith.extui %and3A : i1 to i32
    %cond3A_99 = arith.constant 0 : i32
    %cond3A_100 = arith.cmpi ne, %convert_element_type3A_98, %cond3A_99 : i32
    scf.if %cond3A_100 {
      "tpu.region"() ({
        %run_scoped3A_125 = tpu.sem_alloc : memref<!tpu.dma_semaphore, #tpu.memory_space<semaphore_mem>>
        %dma_start3A_126 = arith.constant 0 : i32
        %dma_start3A_127 = tpu.memref_slice %arg6[%mul3A_93, %dma_start3A_126] : memref<10000x128xf32, #tpu.memory_space<hbm>> -> memref<640x128xf32, #tpu.memory_space<hbm>>
        %dma_start3A_128 = arith.constant 0 : i32
        %dma_start3A_129 = tpu.memref_slice %arg8[%mul3A_93, %dma_start3A_128] : memref<10000x128xf32, #tpu.memory_space<vmem_shared>> -> memref<640x128xf32, #tpu.memory_space<vmem_shared>>
        tpu.enqueue_dma source(%dma_start3A_129 : memref<640x128xf32, #tpu.memory_space<vmem_shared>>) target(%dma_start3A_127 : memref<640x128xf32, #tpu.memory_space<hbm>>) target_semaphore(%run_scoped3A_125 : memref<!tpu.dma_semaphore, #tpu.memory_space<semaphore_mem>>)
        %dma_wait3A_130 = arith.constant 0 : i32
        %dma_wait3A_131 = tpu.memref_slice %arg6[%mul3A_93, %dma_wait3A_130] : memref<10000x128xf32, #tpu.memory_space<hbm>> -> memref<640x128xf32, #tpu.memory_space<hbm>>
        %dma_wait3A_132 = arith.constant 0 : i32
        %dma_wait3A_133 = tpu.memref_slice %arg8[%mul3A_93, %dma_wait3A_132] : memref<10000x128xf32, #tpu.memory_space<vmem_shared>> -> memref<640x128xf32, #tpu.memory_space<vmem_shared>>
        tpu.wait_dma2 semaphore(%run_scoped3A_125 : memref<!tpu.dma_semaphore, #tpu.memory_space<semaphore_mem>>) src(%dma_wait3A_133 : memref<640x128xf32, #tpu.memory_space<vmem_shared>>) dst(%dma_wait3A_131 : memref<640x128xf32, #tpu.memory_space<hbm>>)
        tpu.yield
      }) : () -> ()
    } else {
    }
    %eq3A_101 = arith.constant 0 : i32
    %eq3A_102 = arith.cmpi eq, %arg0, %eq3A_101 : i32
    %eq3A_103 = arith.constant 15 : i32
    %eq3A_104 = arith.cmpi eq, %arg1, %eq3A_103 : i32
    %and3A_105 = arith.andi %eq3A_102, %eq3A_104 : i1
    %convert_element_type3A_106 = arith.extui %and3A_105 : i1 to i32
    %cond3A_107 = arith.constant 0 : i32
    %cond3A_108 = arith.cmpi ne, %convert_element_type3A_106, %cond3A_107 : i32
    scf.if %cond3A_108 {
      "tpu.region"() ({
        %run_scoped3A_125 = tpu.sem_alloc : memref<!tpu.dma_semaphore, #tpu.memory_space<semaphore_mem>>
        %dma_start3A_126 = arith.constant 9600 : i32
        %dma_start3A_127 = arith.constant 0 : i32
        %dma_start3A_128 = tpu.memref_slice %arg6[%dma_start3A_126, %dma_start3A_127] : memref<10000x128xf32, #tpu.memory_space<hbm>> -> memref<400x128xf32, #tpu.memory_space<hbm>>
        %dma_start3A_129 = arith.constant 9600 : i32
        %dma_start3A_130 = arith.constant 0 : i32
        %dma_start3A_131 = tpu.memref_slice %arg8[%dma_start3A_129, %dma_start3A_130] : memref<10000x128xf32, #tpu.memory_space<vmem_shared>> -> memref<400x128xf32, #tpu.memory_space<vmem_shared>>
        tpu.enqueue_dma source(%dma_start3A_131 : memref<400x128xf32, #tpu.memory_space<vmem_shared>>) target(%dma_start3A_128 : memref<400x128xf32, #tpu.memory_space<hbm>>) target_semaphore(%run_scoped3A_125 : memref<!tpu.dma_semaphore, #tpu.memory_space<semaphore_mem>>)
        %dma_wait3A_132 = arith.constant 9600 : i32
        %dma_wait3A_133 = arith.constant 0 : i32
        %dma_wait3A_134 = tpu.memref_slice %arg6[%dma_wait3A_132, %dma_wait3A_133] : memref<10000x128xf32, #tpu.memory_space<hbm>> -> memref<400x128xf32, #tpu.memory_space<hbm>>
        %dma_wait3A_135 = arith.constant 9600 : i32
        %dma_wait3A_136 = arith.constant 0 : i32
        %dma_wait3A_137 = tpu.memref_slice %arg8[%dma_wait3A_135, %dma_wait3A_136] : memref<10000x128xf32, #tpu.memory_space<vmem_shared>> -> memref<400x128xf32, #tpu.memory_space<vmem_shared>>
        tpu.wait_dma2 semaphore(%run_scoped3A_125 : memref<!tpu.dma_semaphore, #tpu.memory_space<semaphore_mem>>) src(%dma_wait3A_137 : memref<400x128xf32, #tpu.memory_space<vmem_shared>>) dst(%dma_wait3A_134 : memref<400x128xf32, #tpu.memory_space<hbm>>)
        tpu.yield
      }) : () -> ()
    } else {
    }
    %eq3A_109 = arith.constant 1 : i32
    %eq3A_110 = arith.cmpi eq, %arg0, %eq3A_109 : i32
    %lt3A_111 = arith.constant 15 : i32
    %lt3A_112 = arith.cmpi slt, %arg1, %lt3A_111 : i32
    %and3A_113 = arith.andi %eq3A_110, %lt3A_112 : i1
    %convert_element_type3A_114 = arith.extui %and3A_113 : i1 to i32
    %cond3A_115 = arith.constant 0 : i32
    %cond3A_116 = arith.cmpi ne, %convert_element_type3A_114, %cond3A_115 : i32
    scf.if %cond3A_116 {
      "tpu.region"() ({
        %run_scoped3A_125 = tpu.sem_alloc : memref<!tpu.dma_semaphore, #tpu.memory_space<semaphore_mem>>
        %dma_start3A_126 = arith.constant 0 : i32
        %dma_start3A_127 = tpu.memref_slice %arg7[%mul3A_93, %dma_start3A_126] : memref<10000x128xf32, #tpu.memory_space<hbm>> -> memref<640x128xf32, #tpu.memory_space<hbm>>
        %dma_start3A_128 = arith.constant 0 : i32
        %dma_start3A_129 = tpu.memref_slice %arg8[%mul3A_93, %dma_start3A_128] : memref<10000x128xf32, #tpu.memory_space<vmem_shared>> -> memref<640x128xf32, #tpu.memory_space<vmem_shared>>
        tpu.enqueue_dma source(%dma_start3A_129 : memref<640x128xf32, #tpu.memory_space<vmem_shared>>) target(%dma_start3A_127 : memref<640x128xf32, #tpu.memory_space<hbm>>) target_semaphore(%run_scoped3A_125 : memref<!tpu.dma_semaphore, #tpu.memory_space<semaphore_mem>>)
        %dma_wait3A_130 = arith.constant 0 : i32
        %dma_wait3A_131 = tpu.memref_slice %arg7[%mul3A_93, %dma_wait3A_130] : memref<10000x128xf32, #tpu.memory_space<hbm>> -> memref<640x128xf32, #tpu.memory_space<hbm>>
        %dma_wait3A_132 = arith.constant 0 : i32
        %dma_wait3A_133 = tpu.memref_slice %arg8[%mul3A_93, %dma_wait3A_132] : memref<10000x128xf32, #tpu.memory_space<vmem_shared>> -> memref<640x128xf32, #tpu.memory_space<vmem_shared>>
        tpu.wait_dma2 semaphore(%run_scoped3A_125 : memref<!tpu.dma_semaphore, #tpu.memory_space<semaphore_mem>>) src(%dma_wait3A_133 : memref<640x128xf32, #tpu.memory_space<vmem_shared>>) dst(%dma_wait3A_131 : memref<640x128xf32, #tpu.memory_space<hbm>>)
        tpu.yield
      }) : () -> ()
    } else {
    }
    %eq3A_117 = arith.constant 1 : i32
    %eq3A_118 = arith.cmpi eq, %arg0, %eq3A_117 : i32
    %eq3A_119 = arith.constant 15 : i32
    %eq3A_120 = arith.cmpi eq, %arg1, %eq3A_119 : i32
    %and3A_121 = arith.andi %eq3A_118, %eq3A_120 : i1
    %convert_element_type3A_122 = arith.extui %and3A_121 : i1 to i32
    %cond3A_123 = arith.constant 0 : i32
    %cond3A_124 = arith.cmpi ne, %convert_element_type3A_122, %cond3A_123 : i32
    scf.if %cond3A_124 {
      "tpu.region"() ({
        %run_scoped3A_125 = tpu.sem_alloc : memref<!tpu.dma_semaphore, #tpu.memory_space<semaphore_mem>>
        %dma_start3A_126 = arith.constant 9600 : i32
        %dma_start3A_127 = arith.constant 0 : i32
        %dma_start3A_128 = tpu.memref_slice %arg7[%dma_start3A_126, %dma_start3A_127] : memref<10000x128xf32, #tpu.memory_space<hbm>> -> memref<400x128xf32, #tpu.memory_space<hbm>>
        %dma_start3A_129 = arith.constant 9600 : i32
        %dma_start3A_130 = arith.constant 0 : i32
        %dma_start3A_131 = tpu.memref_slice %arg8[%dma_start3A_129, %dma_start3A_130] : memref<10000x128xf32, #tpu.memory_space<vmem_shared>> -> memref<400x128xf32, #tpu.memory_space<vmem_shared>>
        tpu.enqueue_dma source(%dma_start3A_131 : memref<400x128xf32, #tpu.memory_space<vmem_shared>>) target(%dma_start3A_128 : memref<400x128xf32, #tpu.memory_space<hbm>>) target_semaphore(%run_scoped3A_125 : memref<!tpu.dma_semaphore, #tpu.memory_space<semaphore_mem>>)
        %dma_wait3A_132 = arith.constant 9600 : i32
        %dma_wait3A_133 = arith.constant 0 : i32
        %dma_wait3A_134 = tpu.memref_slice %arg7[%dma_wait3A_132, %dma_wait3A_133] : memref<10000x128xf32, #tpu.memory_space<hbm>> -> memref<400x128xf32, #tpu.memory_space<hbm>>
        %dma_wait3A_135 = arith.constant 9600 : i32
        %dma_wait3A_136 = arith.constant 0 : i32
        %dma_wait3A_137 = tpu.memref_slice %arg8[%dma_wait3A_135, %dma_wait3A_136] : memref<10000x128xf32, #tpu.memory_space<vmem_shared>> -> memref<400x128xf32, #tpu.memory_space<vmem_shared>>
        tpu.wait_dma2 semaphore(%run_scoped3A_125 : memref<!tpu.dma_semaphore, #tpu.memory_space<semaphore_mem>>) src(%dma_wait3A_137 : memref<400x128xf32, #tpu.memory_space<vmem_shared>>) dst(%dma_wait3A_134 : memref<400x128xf32, #tpu.memory_space<hbm>>)
        tpu.yield
      }) : () -> ()
    } else {
    }
    return
  }
}

module attributes {stable_mosaic.version = 14 : i64} {
  func.func @_layer0_body(%arg0: memref<10000x128xf32, #tpu.memory_space<vmem>>, %arg1: memref<10000x128xf32, #tpu.memory_space<vmem>>, %arg2: memref<10000x128xf32, #tpu.memory_space<vmem>>, %arg3: memref<128x128xf32, #tpu.memory_space<vmem>>, %arg4: memref<1x128xf32, #tpu.memory_space<vmem>>, %arg5: memref<1x128xf32, #tpu.memory_space<vmem>>, %arg6: memref<1x128xf32, #tpu.memory_space<vmem>>, %arg7: memref<128x128xf32, #tpu.memory_space<vmem>>, %arg8: memref<1x128xf32, #tpu.memory_space<vmem>>, %arg9: memref<1x128xf32, #tpu.memory_space<vmem>>, %arg10: memref<1x128xf32, #tpu.memory_space<vmem>>, %arg11: memref<1x128xf32, #tpu.memory_space<vmem>>, %arg12: memref<1x128xf32, #tpu.memory_space<vmem>>, %arg13: memref<10000x128xf32, #tpu.memory_space<vmem>>, %arg14: memref<1x128xf32, #tpu.memory_space<vmem>>) attributes {dimension_semantics = [], scalar_prefetch = 0 : i64, scratch_operands = 0 : i64, tpu.core_type = #tpu.core_type<tc>} {
    %get3A = arith.constant 0 : index
    %get3A_0 = arith.constant 0 : index
    %get3A_1 = vector.load %arg0[%get3A, %get3A_0] : memref<10000x128xf32, #tpu.memory_space<vmem>>, vector<10000x128xf32>
    %reduce_sum3A = arith.constant dense<0.000000e+00> : vector<128xf32>
    %reduce_sum3A_2 = vector.multi_reduction <add>, %get3A_1, %reduce_sum3A [0] : vector<10000x128xf32> to vector<128xf32>
    %broadcast_in_dim3A = vector.shape_cast %reduce_sum3A_2 : vector<128xf32> to vector<1x128xf32>
    %swap3A = arith.constant 0 : index
    %swap3A_3 = arith.constant 0 : index
    %swap3A_4 = vector.load %arg14[%swap3A, %swap3A_3] : memref<1x128xf32, #tpu.memory_space<vmem>>, vector<1x128xf32>
    tpu.vector_store %arg14[%swap3A, %swap3A_3], %broadcast_in_dim3A {strides = array<i32>} : memref<1x128xf32, #tpu.memory_space<vmem>>, vector<1x128xf32>,
    %get3A_5 = arith.constant 0 : index
    %get3A_6 = arith.constant 0 : index
    %get3A_7 = vector.load %arg1[%get3A_5, %get3A_6] : memref<10000x128xf32, #tpu.memory_space<vmem>>, vector<10000x128xf32>
    %add3A = arith.addf %get3A_1, %get3A_7 : vector<10000x128xf32>
    %get3A_8 = arith.constant 0 : index
    %get3A_9 = arith.constant 0 : index
    %get3A_10 = vector.load %arg2[%get3A_8, %get3A_9] : memref<10000x128xf32, #tpu.memory_space<vmem>>, vector<10000x128xf32>
    %add3A_11 = arith.addf %add3A, %get3A_10 : vector<10000x128xf32>
    %get3A_12 = arith.constant 0 : index
    %get3A_13 = arith.constant 0 : index
    %get3A_14 = vector.load %arg3[%get3A_12, %get3A_13] : memref<128x128xf32, #tpu.memory_space<vmem>>, vector<128x128xf32>
    %get3A_15 = arith.constant 0 : index
    %get3A_16 = arith.constant 0 : index
    %get3A_17 = vector.load %arg4[%get3A_15, %get3A_16] : memref<1x128xf32, #tpu.memory_space<vmem>>, vector<1x128xf32>
    %get3A_18 = arith.constant 0 : index
    %get3A_19 = arith.constant 0 : index
    %get3A_20 = vector.load %arg5[%get3A_18, %get3A_19] : memref<1x128xf32, #tpu.memory_space<vmem>>, vector<1x128xf32>
    %get3A_21 = arith.constant 0 : index
    %get3A_22 = arith.constant 0 : index
    %get3A_23 = vector.load %arg6[%get3A_21, %get3A_22] : memref<1x128xf32, #tpu.memory_space<vmem>>, vector<1x128xf32>
    %get3A_24 = arith.constant 0 : index
    %get3A_25 = arith.constant 0 : index
    %get3A_26 = vector.load %arg7[%get3A_24, %get3A_25] : memref<128x128xf32, #tpu.memory_space<vmem>>, vector<128x128xf32>
    %get3A_27 = arith.constant 0 : index
    %get3A_28 = arith.constant 0 : index
    %get3A_29 = vector.load %arg8[%get3A_27, %get3A_28] : memref<1x128xf32, #tpu.memory_space<vmem>>, vector<1x128xf32>
    %get3A_30 = arith.constant 0 : index
    %get3A_31 = arith.constant 0 : index
    %get3A_32 = vector.load %arg9[%get3A_30, %get3A_31] : memref<1x128xf32, #tpu.memory_space<vmem>>, vector<1x128xf32>
    %get3A_33 = arith.constant 0 : index
    %get3A_34 = arith.constant 0 : index
    %get3A_35 = vector.load %arg10[%get3A_33, %get3A_34] : memref<1x128xf32, #tpu.memory_space<vmem>>, vector<1x128xf32>
    %get3A_36 = arith.constant 0 : index
    %get3A_37 = arith.constant 0 : index
    %get3A_38 = vector.load %arg11[%get3A_36, %get3A_37] : memref<1x128xf32, #tpu.memory_space<vmem>>, vector<1x128xf32>
    %get3A_39 = arith.constant 0 : index
    %get3A_40 = arith.constant 0 : index
    %get3A_41 = vector.load %arg12[%get3A_39, %get3A_40] : memref<1x128xf32, #tpu.memory_space<vmem>>, vector<1x128xf32>
    %dot_general3A = arith.constant dense<0.000000e+00> : vector<10000x128xf32>
    %dot_general3A_42 = tpu.matmul %add3A_11, %get3A_14, %dot_general3A {dimension_numbers = #tpu.dot_dimension_numbers<[1], [0], [0], [1], [0, 0, 1, 1], [], []>, transpose_lhs_hint = false} : vector<10000x128xf32>, vector<128x128xf32>, vector<10000x128xf32> -> vector<10000x128xf32>
    %add3A_43 = vector.broadcast %get3A_17 : vector<1x128xf32> to vector<10000x128xf32>
    %add3A_44 = arith.addf %dot_general3A_42, %add3A_43 : vector<10000x128xf32>
    %reduce_sum3A_45 = arith.constant dense<0.000000e+00> : vector<128xf32>
    %reduce_sum3A_46 = vector.multi_reduction <add>, %add3A_44, %reduce_sum3A_45 [0] : vector<10000x128xf32> to vector<128xf32>
    %broadcast_in_dim3A_47 = vector.shape_cast %reduce_sum3A_46 : vector<128xf32> to vector<1x128xf32>
    %mul3A = arith.constant 9.99999974E-5 : f32
    %mul3A_48 = vector.broadcast %mul3A : f32 to vector<1x128xf32>
    %mul3A_49 = arith.mulf %broadcast_in_dim3A_47, %mul3A_48 : vector<1x128xf32>
    %sub3A = vector.broadcast %mul3A_49 : vector<1x128xf32> to vector<10000x128xf32>
    %sub3A_50 = arith.subf %add3A_44, %sub3A : vector<10000x128xf32>
    %mul3A_51 = arith.mulf %sub3A_50, %sub3A_50 : vector<10000x128xf32>
    %reduce_sum3A_52 = arith.constant dense<0.000000e+00> : vector<128xf32>
    %reduce_sum3A_53 = vector.multi_reduction <add>, %mul3A_51, %reduce_sum3A_52 [0] : vector<10000x128xf32> to vector<128xf32>
    %broadcast_in_dim3A_54 = vector.shape_cast %reduce_sum3A_53 : vector<128xf32> to vector<1x128xf32>
    %mul3A_55 = arith.constant 9.99999974E-5 : f32
    %mul3A_56 = vector.broadcast %mul3A_55 : f32 to vector<1x128xf32>
    %mul3A_57 = arith.mulf %broadcast_in_dim3A_54, %mul3A_56 : vector<1x128xf32>
    %mul3A_58 = vector.broadcast %get3A_20 : vector<1x128xf32> to vector<10000x128xf32>
    %mul3A_59 = arith.mulf %mul3A_58, %sub3A_50 : vector<10000x128xf32>
    %add3A_60 = arith.constant 9.99999974E-6 : f32
    %add3A_61 = vector.broadcast %add3A_60 : f32 to vector<1x128xf32>
    %add3A_62 = arith.addf %mul3A_57, %add3A_61 : vector<1x128xf32>
    %sqrt3A = math.sqrt %add3A_62 : vector<1x128xf32>
    %div3A = vector.broadcast %sqrt3A : vector<1x128xf32> to vector<10000x128xf32>
    %div3A_63 = arith.divf %mul3A_59, %div3A : vector<10000x128xf32>
    %add3A_64 = vector.broadcast %get3A_23 : vector<1x128xf32> to vector<10000x128xf32>
    %add3A_65 = arith.addf %div3A_63, %add3A_64 : vector<10000x128xf32>
    %max3A = arith.constant 0.000000e+00 : f32
    %max3A_66 = vector.broadcast %max3A : f32 to vector<10000x128xf32>
    %max3A_67 = arith.maximumf %add3A_65, %max3A_66 : vector<10000x128xf32>
    %dot_general3A_68 = arith.constant dense<0.000000e+00> : vector<10000x128xf32>
    %dot_general3A_69 = tpu.matmul %max3A_67, %get3A_26, %dot_general3A_68 {dimension_numbers = #tpu.dot_dimension_numbers<[1], [0], [0], [1], [0, 0, 1, 1], [], []>, transpose_lhs_hint = false} : vector<10000x128xf32>, vector<128x128xf32>, vector<10000x128xf32> -> vector<10000x128xf32>
    %add3A_70 = vector.broadcast %get3A_29 : vector<1x128xf32> to vector<10000x128xf32>
    %add3A_71 = arith.addf %dot_general3A_69, %add3A_70 : vector<10000x128xf32>
    %reduce_sum3A_72 = arith.constant dense<0.000000e+00> : vector<128xf32>
    %reduce_sum3A_73 = vector.multi_reduction <add>, %add3A_71, %reduce_sum3A_72 [0] : vector<10000x128xf32> to vector<128xf32>
    %broadcast_in_dim3A_74 = vector.shape_cast %reduce_sum3A_73 : vector<128xf32> to vector<1x128xf32>
    %mul3A_75 = arith.constant 9.99999974E-5 : f32
    %mul3A_76 = vector.broadcast %mul3A_75 : f32 to vector<1x128xf32>
    %mul3A_77 = arith.mulf %broadcast_in_dim3A_74, %mul3A_76 : vector<1x128xf32>
    %sub3A_78 = vector.broadcast %mul3A_77 : vector<1x128xf32> to vector<10000x128xf32>
    %sub3A_79 = arith.subf %add3A_71, %sub3A_78 : vector<10000x128xf32>
    %mul3A_80 = arith.mulf %sub3A_79, %sub3A_79 : vector<10000x128xf32>
    %reduce_sum3A_81 = arith.constant dense<0.000000e+00> : vector<128xf32>
    %reduce_sum3A_82 = vector.multi_reduction <add>, %mul3A_80, %reduce_sum3A_81 [0] : vector<10000x128xf32> to vector<128xf32>
    %broadcast_in_dim3A_83 = vector.shape_cast %reduce_sum3A_82 : vector<128xf32> to vector<1x128xf32>
    %mul3A_84 = arith.constant 9.99999974E-5 : f32
    %mul3A_85 = vector.broadcast %mul3A_84 : f32 to vector<1x128xf32>
    %mul3A_86 = arith.mulf %broadcast_in_dim3A_83, %mul3A_85 : vector<1x128xf32>
    %mul3A_87 = vector.broadcast %get3A_32 : vector<1x128xf32> to vector<10000x128xf32>
    %mul3A_88 = arith.mulf %mul3A_87, %sub3A_79 : vector<10000x128xf32>
    %add3A_89 = arith.constant 9.99999974E-6 : f32
    %add3A_90 = vector.broadcast %add3A_89 : f32 to vector<1x128xf32>
    %add3A_91 = arith.addf %mul3A_86, %add3A_90 : vector<1x128xf32>
    %sqrt3A_92 = math.sqrt %add3A_91 : vector<1x128xf32>
    %div3A_93 = vector.broadcast %sqrt3A_92 : vector<1x128xf32> to vector<10000x128xf32>
    %div3A_94 = arith.divf %mul3A_88, %div3A_93 : vector<10000x128xf32>
    %add3A_95 = vector.broadcast %get3A_35 : vector<1x128xf32> to vector<10000x128xf32>
    %add3A_96 = arith.addf %div3A_94, %add3A_95 : vector<10000x128xf32>
    %max3A_97 = arith.constant 0.000000e+00 : f32
    %max3A_98 = vector.broadcast %max3A_97 : f32 to vector<10000x128xf32>
    %max3A_99 = arith.maximumf %add3A_96, %max3A_98 : vector<10000x128xf32>
    %reduce_sum3A_100 = arith.constant dense<0.000000e+00> : vector<128xf32>
    %reduce_sum3A_101 = vector.multi_reduction <add>, %max3A_99, %reduce_sum3A_100 [0] : vector<10000x128xf32> to vector<128xf32>
    %broadcast_in_dim3A_102 = vector.shape_cast %reduce_sum3A_101 : vector<128xf32> to vector<1x128xf32>
    %mul3A_103 = arith.constant 9.99999974E-5 : f32
    %mul3A_104 = vector.broadcast %mul3A_103 : f32 to vector<1x128xf32>
    %mul3A_105 = arith.mulf %broadcast_in_dim3A_102, %mul3A_104 : vector<1x128xf32>
    %sub3A_106 = vector.broadcast %mul3A_105 : vector<1x128xf32> to vector<10000x128xf32>
    %sub3A_107 = arith.subf %max3A_99, %sub3A_106 : vector<10000x128xf32>
    %mul3A_108 = arith.mulf %sub3A_107, %sub3A_107 : vector<10000x128xf32>
    %reduce_sum3A_109 = arith.constant dense<0.000000e+00> : vector<128xf32>
    %reduce_sum3A_110 = vector.multi_reduction <add>, %mul3A_108, %reduce_sum3A_109 [0] : vector<10000x128xf32> to vector<128xf32>
    %broadcast_in_dim3A_111 = vector.shape_cast %reduce_sum3A_110 : vector<128xf32> to vector<1x128xf32>
    %mul3A_112 = arith.constant 9.99999974E-5 : f32
    %mul3A_113 = vector.broadcast %mul3A_112 : f32 to vector<1x128xf32>
    %mul3A_114 = arith.mulf %broadcast_in_dim3A_111, %mul3A_113 : vector<1x128xf32>
    %mul3A_115 = vector.broadcast %get3A_38 : vector<1x128xf32> to vector<10000x128xf32>
    %mul3A_116 = arith.mulf %mul3A_115, %sub3A_107 : vector<10000x128xf32>
    %add3A_117 = arith.constant 9.99999974E-6 : f32
    %add3A_118 = vector.broadcast %add3A_117 : f32 to vector<1x128xf32>
    %add3A_119 = arith.addf %mul3A_114, %add3A_118 : vector<1x128xf32>
    %sqrt3A_120 = math.sqrt %add3A_119 : vector<1x128xf32>
    %div3A_121 = vector.broadcast %sqrt3A_120 : vector<1x128xf32> to vector<10000x128xf32>
    %div3A_122 = arith.divf %mul3A_116, %div3A_121 : vector<10000x128xf32>
    %add3A_123 = vector.broadcast %get3A_41 : vector<1x128xf32> to vector<10000x128xf32>
    %add3A_124 = arith.addf %div3A_122, %add3A_123 : vector<10000x128xf32>
    %max3A_125 = arith.constant 0.000000e+00 : f32
    %max3A_126 = vector.broadcast %max3A_125 : f32 to vector<10000x128xf32>
    %max3A_127 = arith.maximumf %add3A_124, %max3A_126 : vector<10000x128xf32>
    %swap3A_128 = arith.constant 0 : index
    %swap3A_129 = arith.constant 0 : index
    %swap3A_130 = vector.load %arg13[%swap3A_128, %swap3A_129] : memref<10000x128xf32, #tpu.memory_space<vmem>>, vector<10000x128xf32>
    tpu.vector_store %arg13[%swap3A_128, %swap3A_129], %max3A_127 {strides = array<i32>} : memref<10000x128xf32, #tpu.memory_space<vmem>>, vector<10000x128xf32>,
    return
  }
}

module attributes {stable_mosaic.version = 14 : i64} {
  func.func @_layer1_body(%arg0: memref<10000x128xf32, #tpu.memory_space<vmem>>, %arg1: memref<10000x128xf32, #tpu.memory_space<vmem>>, %arg2: memref<10000x128xf32, #tpu.memory_space<vmem>>, %arg3: memref<128x128xf32, #tpu.memory_space<vmem>>, %arg4: memref<1x128xf32, #tpu.memory_space<vmem>>, %arg5: memref<1x128xf32, #tpu.memory_space<vmem>>, %arg6: memref<1x128xf32, #tpu.memory_space<vmem>>, %arg7: memref<128x128xf32, #tpu.memory_space<vmem>>, %arg8: memref<1x128xf32, #tpu.memory_space<vmem>>, %arg9: memref<1x128xf32, #tpu.memory_space<vmem>>, %arg10: memref<1x128xf32, #tpu.memory_space<vmem>>, %arg11: memref<1x128xf32, #tpu.memory_space<vmem>>, %arg12: memref<1x128xf32, #tpu.memory_space<vmem>>, %arg13: memref<1x128xf32, #tpu.memory_space<vmem>>, %arg14: memref<1x128xf32, #tpu.memory_space<vmem>>, %arg15: memref<1x1xf32, #tpu.memory_space<vmem>>, %arg16: memref<1x128xf32, #tpu.memory_space<vmem>>, %arg17: memref<1x1xf32, #tpu.memory_space<vmem>>, %arg18: memref<1x128xf32, #tpu.memory_space<vmem>>, %arg19: memref<1x1xf32, #tpu.memory_space<vmem>>, %arg20: memref<1x1xf32, #tpu.memory_space<vmem>>) attributes {dimension_semantics = [], scalar_prefetch = 0 : i64, scratch_operands = 0 : i64, tpu.core_type = #tpu.core_type<tc>} {
    %get3A = arith.constant 0 : index
    %get3A_0 = arith.constant 0 : index
    %get3A_1 = vector.load %arg0[%get3A, %get3A_0] : memref<10000x128xf32, #tpu.memory_space<vmem>>, vector<10000x128xf32>
    %reduce_sum3A = arith.constant dense<0.000000e+00> : vector<128xf32>
    %reduce_sum3A_2 = vector.multi_reduction <add>, %get3A_1, %reduce_sum3A [0] : vector<10000x128xf32> to vector<128xf32>
    %broadcast_in_dim3A = vector.shape_cast %reduce_sum3A_2 : vector<128xf32> to vector<1x128xf32>
    %get3A_3 = arith.constant 0 : index
    %get3A_4 = arith.constant 0 : index
    %get3A_5 = vector.load %arg1[%get3A_3, %get3A_4] : memref<10000x128xf32, #tpu.memory_space<vmem>>, vector<10000x128xf32>
    %add3A = arith.addf %get3A_1, %get3A_5 : vector<10000x128xf32>
    %get3A_6 = arith.constant 0 : index
    %get3A_7 = arith.constant 0 : index
    %get3A_8 = vector.load %arg2[%get3A_6, %get3A_7] : memref<10000x128xf32, #tpu.memory_space<vmem>>, vector<10000x128xf32>
    %add3A_9 = arith.addf %add3A, %get3A_8 : vector<10000x128xf32>
    %get3A_10 = arith.constant 0 : index
    %get3A_11 = arith.constant 0 : index
    %get3A_12 = vector.load %arg3[%get3A_10, %get3A_11] : memref<128x128xf32, #tpu.memory_space<vmem>>, vector<128x128xf32>
    %get3A_13 = arith.constant 0 : index
    %get3A_14 = arith.constant 0 : index
    %get3A_15 = vector.load %arg4[%get3A_13, %get3A_14] : memref<1x128xf32, #tpu.memory_space<vmem>>, vector<1x128xf32>
    %get3A_16 = arith.constant 0 : index
    %get3A_17 = arith.constant 0 : index
    %get3A_18 = vector.load %arg5[%get3A_16, %get3A_17] : memref<1x128xf32, #tpu.memory_space<vmem>>, vector<1x128xf32>
    %get3A_19 = arith.constant 0 : index
    %get3A_20 = arith.constant 0 : index
    %get3A_21 = vector.load %arg6[%get3A_19, %get3A_20] : memref<1x128xf32, #tpu.memory_space<vmem>>, vector<1x128xf32>
    %get3A_22 = arith.constant 0 : index
    %get3A_23 = arith.constant 0 : index
    %get3A_24 = vector.load %arg7[%get3A_22, %get3A_23] : memref<128x128xf32, #tpu.memory_space<vmem>>, vector<128x128xf32>
    %get3A_25 = arith.constant 0 : index
    %get3A_26 = arith.constant 0 : index
    %get3A_27 = vector.load %arg8[%get3A_25, %get3A_26] : memref<1x128xf32, #tpu.memory_space<vmem>>, vector<1x128xf32>
    %get3A_28 = arith.constant 0 : index
    %get3A_29 = arith.constant 0 : index
    %get3A_30 = vector.load %arg9[%get3A_28, %get3A_29] : memref<1x128xf32, #tpu.memory_space<vmem>>, vector<1x128xf32>
    %get3A_31 = arith.constant 0 : index
    %get3A_32 = arith.constant 0 : index
    %get3A_33 = vector.load %arg10[%get3A_31, %get3A_32] : memref<1x128xf32, #tpu.memory_space<vmem>>, vector<1x128xf32>
    %get3A_34 = arith.constant 0 : index
    %get3A_35 = arith.constant 0 : index
    %get3A_36 = vector.load %arg11[%get3A_34, %get3A_35] : memref<1x128xf32, #tpu.memory_space<vmem>>, vector<1x128xf32>
    %get3A_37 = arith.constant 0 : index
    %get3A_38 = arith.constant 0 : index
    %get3A_39 = vector.load %arg12[%get3A_37, %get3A_38] : memref<1x128xf32, #tpu.memory_space<vmem>>, vector<1x128xf32>
    %dot_general3A = arith.constant dense<0.000000e+00> : vector<10000x128xf32>
    %dot_general3A_40 = tpu.matmul %add3A_9, %get3A_12, %dot_general3A {dimension_numbers = #tpu.dot_dimension_numbers<[1], [0], [0], [1], [0, 0, 1, 1], [], []>, transpose_lhs_hint = false} : vector<10000x128xf32>, vector<128x128xf32>, vector<10000x128xf32> -> vector<10000x128xf32>
    %add3A_41 = vector.broadcast %get3A_15 : vector<1x128xf32> to vector<10000x128xf32>
    %add3A_42 = arith.addf %dot_general3A_40, %add3A_41 : vector<10000x128xf32>
    %reduce_sum3A_43 = arith.constant dense<0.000000e+00> : vector<128xf32>
    %reduce_sum3A_44 = vector.multi_reduction <add>, %add3A_42, %reduce_sum3A_43 [0] : vector<10000x128xf32> to vector<128xf32>
    %broadcast_in_dim3A_45 = vector.shape_cast %reduce_sum3A_44 : vector<128xf32> to vector<1x128xf32>
    %mul3A = arith.constant 9.99999974E-5 : f32
    %mul3A_46 = vector.broadcast %mul3A : f32 to vector<1x128xf32>
    %mul3A_47 = arith.mulf %broadcast_in_dim3A_45, %mul3A_46 : vector<1x128xf32>
    %sub3A = vector.broadcast %mul3A_47 : vector<1x128xf32> to vector<10000x128xf32>
    %sub3A_48 = arith.subf %add3A_42, %sub3A : vector<10000x128xf32>
    %mul3A_49 = arith.mulf %sub3A_48, %sub3A_48 : vector<10000x128xf32>
    %reduce_sum3A_50 = arith.constant dense<0.000000e+00> : vector<128xf32>
    %reduce_sum3A_51 = vector.multi_reduction <add>, %mul3A_49, %reduce_sum3A_50 [0] : vector<10000x128xf32> to vector<128xf32>
    %broadcast_in_dim3A_52 = vector.shape_cast %reduce_sum3A_51 : vector<128xf32> to vector<1x128xf32>
    %mul3A_53 = arith.constant 9.99999974E-5 : f32
    %mul3A_54 = vector.broadcast %mul3A_53 : f32 to vector<1x128xf32>
    %mul3A_55 = arith.mulf %broadcast_in_dim3A_52, %mul3A_54 : vector<1x128xf32>
    %mul3A_56 = vector.broadcast %get3A_18 : vector<1x128xf32> to vector<10000x128xf32>
    %mul3A_57 = arith.mulf %mul3A_56, %sub3A_48 : vector<10000x128xf32>
    %add3A_58 = arith.constant 9.99999974E-6 : f32
    %add3A_59 = vector.broadcast %add3A_58 : f32 to vector<1x128xf32>
    %add3A_60 = arith.addf %mul3A_55, %add3A_59 : vector<1x128xf32>
    %sqrt3A = math.sqrt %add3A_60 : vector<1x128xf32>
    %div3A = vector.broadcast %sqrt3A : vector<1x128xf32> to vector<10000x128xf32>
    %div3A_61 = arith.divf %mul3A_57, %div3A : vector<10000x128xf32>
    %add3A_62 = vector.broadcast %get3A_21 : vector<1x128xf32> to vector<10000x128xf32>
    %add3A_63 = arith.addf %div3A_61, %add3A_62 : vector<10000x128xf32>
    %max3A = arith.constant 0.000000e+00 : f32
    %max3A_64 = vector.broadcast %max3A : f32 to vector<10000x128xf32>
    %max3A_65 = arith.maximumf %add3A_63, %max3A_64 : vector<10000x128xf32>
    %dot_general3A_66 = arith.constant dense<0.000000e+00> : vector<10000x128xf32>
    %dot_general3A_67 = tpu.matmul %max3A_65, %get3A_24, %dot_general3A_66 {dimension_numbers = #tpu.dot_dimension_numbers<[1], [0], [0], [1], [0, 0, 1, 1], [], []>, transpose_lhs_hint = false} : vector<10000x128xf32>, vector<128x128xf32>, vector<10000x128xf32> -> vector<10000x128xf32>
    %add3A_68 = vector.broadcast %get3A_27 : vector<1x128xf32> to vector<10000x128xf32>
    %add3A_69 = arith.addf %dot_general3A_67, %add3A_68 : vector<10000x128xf32>
    %reduce_sum3A_70 = arith.constant dense<0.000000e+00> : vector<128xf32>
    %reduce_sum3A_71 = vector.multi_reduction <add>, %add3A_69, %reduce_sum3A_70 [0] : vector<10000x128xf32> to vector<128xf32>
    %broadcast_in_dim3A_72 = vector.shape_cast %reduce_sum3A_71 : vector<128xf32> to vector<1x128xf32>
    %mul3A_73 = arith.constant 9.99999974E-5 : f32
    %mul3A_74 = vector.broadcast %mul3A_73 : f32 to vector<1x128xf32>
    %mul3A_75 = arith.mulf %broadcast_in_dim3A_72, %mul3A_74 : vector<1x128xf32>
    %sub3A_76 = vector.broadcast %mul3A_75 : vector<1x128xf32> to vector<10000x128xf32>
    %sub3A_77 = arith.subf %add3A_69, %sub3A_76 : vector<10000x128xf32>
    %mul3A_78 = arith.mulf %sub3A_77, %sub3A_77 : vector<10000x128xf32>
    %reduce_sum3A_79 = arith.constant dense<0.000000e+00> : vector<128xf32>
    %reduce_sum3A_80 = vector.multi_reduction <add>, %mul3A_78, %reduce_sum3A_79 [0] : vector<10000x128xf32> to vector<128xf32>
    %broadcast_in_dim3A_81 = vector.shape_cast %reduce_sum3A_80 : vector<128xf32> to vector<1x128xf32>
    %mul3A_82 = arith.constant 9.99999974E-5 : f32
    %mul3A_83 = vector.broadcast %mul3A_82 : f32 to vector<1x128xf32>
    %mul3A_84 = arith.mulf %broadcast_in_dim3A_81, %mul3A_83 : vector<1x128xf32>
    %mul3A_85 = vector.broadcast %get3A_30 : vector<1x128xf32> to vector<10000x128xf32>
    %mul3A_86 = arith.mulf %mul3A_85, %sub3A_77 : vector<10000x128xf32>
    %add3A_87 = arith.constant 9.99999974E-6 : f32
    %add3A_88 = vector.broadcast %add3A_87 : f32 to vector<1x128xf32>
    %add3A_89 = arith.addf %mul3A_84, %add3A_88 : vector<1x128xf32>
    %sqrt3A_90 = math.sqrt %add3A_89 : vector<1x128xf32>
    %div3A_91 = vector.broadcast %sqrt3A_90 : vector<1x128xf32> to vector<10000x128xf32>
    %div3A_92 = arith.divf %mul3A_86, %div3A_91 : vector<10000x128xf32>
    %add3A_93 = vector.broadcast %get3A_33 : vector<1x128xf32> to vector<10000x128xf32>
    %add3A_94 = arith.addf %div3A_92, %add3A_93 : vector<10000x128xf32>
    %max3A_95 = arith.constant 0.000000e+00 : f32
    %max3A_96 = vector.broadcast %max3A_95 : f32 to vector<10000x128xf32>
    %max3A_97 = arith.maximumf %add3A_94, %max3A_96 : vector<10000x128xf32>
    %reduce_sum3A_98 = arith.constant dense<0.000000e+00> : vector<128xf32>
    %reduce_sum3A_99 = vector.multi_reduction <add>, %max3A_97, %reduce_sum3A_98 [0] : vector<10000x128xf32> to vector<128xf32>
    %broadcast_in_dim3A_100 = vector.shape_cast %reduce_sum3A_99 : vector<128xf32> to vector<1x128xf32>
    %mul3A_101 = arith.constant 9.99999974E-5 : f32
    %mul3A_102 = vector.broadcast %mul3A_101 : f32 to vector<1x128xf32>
    %mul3A_103 = arith.mulf %broadcast_in_dim3A_100, %mul3A_102 : vector<1x128xf32>
    %sub3A_104 = vector.broadcast %mul3A_103 : vector<1x128xf32> to vector<10000x128xf32>
    %sub3A_105 = arith.subf %max3A_97, %sub3A_104 : vector<10000x128xf32>
    %mul3A_106 = arith.mulf %sub3A_105, %sub3A_105 : vector<10000x128xf32>
    %reduce_sum3A_107 = arith.constant dense<0.000000e+00> : vector<128xf32>
    %reduce_sum3A_108 = vector.multi_reduction <add>, %mul3A_106, %reduce_sum3A_107 [0] : vector<10000x128xf32> to vector<128xf32>
    %broadcast_in_dim3A_109 = vector.shape_cast %reduce_sum3A_108 : vector<128xf32> to vector<1x128xf32>
    %mul3A_110 = arith.constant 9.99999974E-5 : f32
    %mul3A_111 = vector.broadcast %mul3A_110 : f32 to vector<1x128xf32>
    %mul3A_112 = arith.mulf %broadcast_in_dim3A_109, %mul3A_111 : vector<1x128xf32>
    %mul3A_113 = vector.broadcast %get3A_36 : vector<1x128xf32> to vector<10000x128xf32>
    %mul3A_114 = arith.mulf %mul3A_113, %sub3A_105 : vector<10000x128xf32>
    %add3A_115 = arith.constant 9.99999974E-6 : f32
    %add3A_116 = vector.broadcast %add3A_115 : f32 to vector<1x128xf32>
    %add3A_117 = arith.addf %mul3A_112, %add3A_116 : vector<1x128xf32>
    %sqrt3A_118 = math.sqrt %add3A_117 : vector<1x128xf32>
    %div3A_119 = vector.broadcast %sqrt3A_118 : vector<1x128xf32> to vector<10000x128xf32>
    %div3A_120 = arith.divf %mul3A_114, %div3A_119 : vector<10000x128xf32>
    %add3A_121 = vector.broadcast %get3A_39 : vector<1x128xf32> to vector<10000x128xf32>
    %add3A_122 = arith.addf %div3A_120, %add3A_121 : vector<10000x128xf32>
    %max3A_123 = arith.constant 0.000000e+00 : f32
    %max3A_124 = vector.broadcast %max3A_123 : f32 to vector<10000x128xf32>
    %max3A_125 = arith.maximumf %add3A_122, %max3A_124 : vector<10000x128xf32>
    %reduce_sum3A_126 = arith.constant dense<0.000000e+00> : vector<128xf32>
    %reduce_sum3A_127 = vector.multi_reduction <add>, %max3A_125, %reduce_sum3A_126 [0] : vector<10000x128xf32> to vector<128xf32>
    %broadcast_in_dim3A_128 = vector.shape_cast %reduce_sum3A_127 : vector<128xf32> to vector<1x128xf32>
    %get3A_129 = arith.constant 0 : index
    %get3A_130 = arith.constant 0 : index
    %get3A_131 = vector.load %arg13[%get3A_129, %get3A_130] : memref<1x128xf32, #tpu.memory_space<vmem>>, vector<1x128xf32>
    %get3A_132 = arith.constant 0 : index
    %get3A_133 = arith.constant 0 : index
    %get3A_134 = vector.load %arg14[%get3A_132, %get3A_133] : memref<1x128xf32, #tpu.memory_space<vmem>>, vector<1x128xf32>
    %mul3A_135 = arith.mulf %get3A_131, %get3A_134 : vector<1x128xf32>
    %reduce_sum3A_136 = arith.constant dense<0.000000e+00> : vector<1xf32>
    %reduce_sum3A_137 = vector.multi_reduction <add>, %mul3A_135, %reduce_sum3A_136 [1] : vector<1x128xf32> to vector<1xf32>
    %broadcast_in_dim3A_138 = vector.shape_cast %reduce_sum3A_137 : vector<1xf32> to vector<1x1xf32>
    %mul3A_139 = arith.constant 9.99999974E-5 : f32
    %mul3A_140 = vector.broadcast %mul3A_139 : f32 to vector<1x1xf32>
    %mul3A_141 = arith.mulf %broadcast_in_dim3A_138, %mul3A_140 : vector<1x1xf32>
    %get3A_142 = arith.constant 0 : index
    %get3A_143 = arith.constant 0 : index
    %get3A_144 = vector.load %arg16[%get3A_142, %get3A_143] : memref<1x128xf32, #tpu.memory_space<vmem>>, vector<1x128xf32>
    %mul3A_145 = arith.mulf %broadcast_in_dim3A, %get3A_144 : vector<1x128xf32>
    %reduce_sum3A_146 = arith.constant dense<0.000000e+00> : vector<1xf32>
    %reduce_sum3A_147 = vector.multi_reduction <add>, %mul3A_145, %reduce_sum3A_146 [1] : vector<1x128xf32> to vector<1xf32>
    %broadcast_in_dim3A_148 = vector.shape_cast %reduce_sum3A_147 : vector<1xf32> to vector<1x1xf32>
    %mul3A_149 = arith.constant 9.99999974E-5 : f32
    %mul3A_150 = vector.broadcast %mul3A_149 : f32 to vector<1x1xf32>
    %mul3A_151 = arith.mulf %broadcast_in_dim3A_148, %mul3A_150 : vector<1x1xf32>
    %add3A_152 = arith.addf %mul3A_141, %mul3A_151 : vector<1x1xf32>
    %get3A_153 = arith.constant 0 : index
    %get3A_154 = arith.constant 0 : index
    %get3A_155 = vector.load %arg18[%get3A_153, %get3A_154] : memref<1x128xf32, #tpu.memory_space<vmem>>, vector<1x128xf32>
    %mul3A_156 = arith.mulf %broadcast_in_dim3A_128, %get3A_155 : vector<1x128xf32>
    %reduce_sum3A_157 = arith.constant dense<0.000000e+00> : vector<1xf32>
    %reduce_sum3A_158 = vector.multi_reduction <add>, %mul3A_156, %reduce_sum3A_157 [1] : vector<1x128xf32> to vector<1xf32>
    %broadcast_in_dim3A_159 = vector.shape_cast %reduce_sum3A_158 : vector<1xf32> to vector<1x1xf32>
    %mul3A_160 = arith.constant 9.99999974E-5 : f32
    %mul3A_161 = vector.broadcast %mul3A_160 : f32 to vector<1x1xf32>
    %mul3A_162 = arith.mulf %broadcast_in_dim3A_159, %mul3A_161 : vector<1x1xf32>
    %add3A_163 = arith.addf %add3A_152, %mul3A_162 : vector<1x1xf32>
    %get3A_164 = arith.constant 0 : index
    %get3A_165 = arith.constant 0 : index
    %get3A_166 = vector.load %arg15[%get3A_164, %get3A_165] : memref<1x1xf32, #tpu.memory_space<vmem>>, vector<1x1xf32>
    %add3A_167 = arith.addf %add3A_163, %get3A_166 : vector<1x1xf32>
    %get3A_168 = arith.constant 0 : index
    %get3A_169 = arith.constant 0 : index
    %get3A_170 = vector.load %arg17[%get3A_168, %get3A_169] : memref<1x1xf32, #tpu.memory_space<vmem>>, vector<1x1xf32>
    %add3A_171 = arith.addf %add3A_167, %get3A_170 : vector<1x1xf32>
    %get3A_172 = arith.constant 0 : index
    %get3A_173 = arith.constant 0 : index
    %get3A_174 = vector.load %arg19[%get3A_172, %get3A_173] : memref<1x1xf32, #tpu.memory_space<vmem>>, vector<1x1xf32>
    %add3A_175 = arith.addf %add3A_171, %get3A_174 : vector<1x1xf32>
    %swap3A = arith.constant 0 : index
    %swap3A_176 = arith.constant 0 : index
    %swap3A_177 = vector.load %arg20[%swap3A, %swap3A_176] : memref<1x1xf32, #tpu.memory_space<vmem>>, vector<1x1xf32>
    tpu.vector_store %arg20[%swap3A, %swap3A_176], %add3A_175 {strides = array<i32>} : memref<1x1xf32, #tpu.memory_space<vmem>>, vector<1x1xf32>,
    return
  }
}

</mosaic_0001>

<sc_bundles>
// kernel: kernel.6.cloned.1.call-start
scs
__scs_entry_jumppad:
0x0: {  	(pc) =	sbr.rel $0x88, $3  }
0x1: {  	(tag) =	ssettag $0x0;
	lr =	simm.s32 $0x1  }
0x2: {  	[smem:$0x3F85] =	sst lr;
	_ =	strace $0xD0000000  }
0x3: {  	_ = 	snop  }
0x4: {  	_ = 	snop  }
0x5: {  	_ = 	snop  }
0x6: {  	_ = 	snop  }
0x7: {  	_ = 	snop  }
__scs_overlays_trampoline_lowered:
0x8: {  	[smem:$0x3F94] =	sst s0  }
0x9: {  	[smem:$0x3F95] =	sst s1  }
0xa: {  	[smem:$0x3F96] =	sst s2  }
0xb: {  	[smem:$0x3F97] =	sst s3  }
0xc: {  	[smem:$0x3F98] =	sst s4  }
0xd: {  	[smem:$0x3F99] =	sst s5  }
0xe: {  	[smem:$0x3F9A] =	sst s6  }
0xf: {  	[smem:$0x3F9B] =	sst s7  }
0x10: {  	[smem:$0x3F9C] =	sst s8  }
0x11: {  	[smem:$0x3F9D] =	sst s9;
	s0 =	simm.s32 @!p0 $0x0  }
0x12: {  	s1 =	sld [smem:$0x3F83];
	s0 =	simm.s32 @p0 $0x1  }
0x13: {  	[smem:$0x3F9E] =	sst s0;
	s0 =	simm.s32 @!p1 $0x0  }
0x14: {  	s2 =	sld [smem:$0x3F82];
	s0 =	simm.s32 @p1 $0x1  }
0x15: {  	[smem:$0x3F9F] =	sst s0;
	s0 =	simm.s32 @!p2 $0x0  }
0x16: {  	s3 =	sld [smem:$0x3FDB];
	s0 =	simm.s32 @p2 $0x1  }
0x17: {  	s4 =	simm.s32 $0x1BF5;
	[smem:$0x3FA1] =	sst s0  }
0x18: {  	s0 =	sld [smem:$0x3F84];
	_ =	swait.ge [sflag:s4], $0x0  }
0x19: {  	s7 =	sld [smem:$0x3F85]  }
0x1a: {  	s8 =	sadd.s32 $0xFFFFE003, lr  }
0x1b: {  	s9 =	sadd.s32 $0xFFFFFEF7, lr;
	s5 =	simm.s32 $0xFFFFFFFF;
	p2 =	slt.u32 s8, $0xFFFFF086  }
0x1c: {  	p1 =	slt.u32 s9, $0xF7A;
	s5 =	simm.s32 @!p2 $0x0  }
0x1d: {  	s5 =	simm.s32 @p1 $0x1;
	p0 =	seq.s32 s7, s2  }
0x1e: {  	s7 =	smul.u32 @!p0 $0xF7A, s2;
	p2 =	seq.s32 @!p0 s5, $0x0  }
0x1f: {  	s9 =	smul.u32 $0xF7A, s1;
	s8 =	simm.s32 @!p0 $0x1BF5;
	p2 =	por !p2, p0  }
0x20: {  	[sflag:s8] =	ssyncset.s32 @!p0 $0xFFFFF086;
	s6 =	sadd.s32 @!p0 s3, s7;
	s7 =	simm.s32 @!p0 $0x108  }
0x21: {  	s3 =	sadd.s32 s3, s9;
	s6 =	sadd.s32 @!p0 $0x88, s6;
	s7 =	simm.s32 @p2 $0x1082  }
0x22: {  	[simem:s7], [sflag:s8] =	dma.local @!p0 [hbm:s6], $0xF7A  }
0x23: {  	s9 =	sor.u32 $0xD0000000, s2;
	s6 =	simm.s32 $0x108;
	_ =	swait.ge @!p0 [sflag:s8], $0x0  }
0x24: {  	s3 =	sadd.s32 $0x88, s3;
	s6 =	simm.s32 @!p1 $0x1082;
	[sflag:s4] =	ssyncset.s32 $0xFFFFF086  }
0x25: {  	[simem:s6], [sflag:s4] =	dma.local [hbm:s3], $0xF7A  }
0x26: {  	[smem:$0x3F85] =	sst s1;
	(tag) =	ssettag s2;
	_ =	strace s9  }
0x27: {  	s1 =	sld [smem:$0x3F95]  }
0x28: {  	s2 =	sld [smem:$0x3F96]  }
0x29: {  	s4 =	sld [smem:$0x3F98]  }
0x2a: {  	p0 =	seq.s32 s5, $0x0;
	s5 =	sld [smem:$0x3F99]  }
0x2b: {  	s6 =	sld [smem:$0x3F9A]  }
0x2c: {  	s7 =	sld [smem:$0x3F9B]  }
0x2d: {  	s3 =	simm.s32 $0x108;
	s8 =	sld [smem:$0x3F9C]  }
0x2e: {  	s3 =	simm.s32 @!p0 $0x1082;
	s9 =	sld [smem:$0x3F9D]  }
0x2f: {  	lr =	sadd.s32 s0, s3;
	s0 =	sld [smem:$0x3F94]  }
0x30: {  	s3 =	sld [smem:$0x3F97]  }
0x31: {  	[smem:$0x3FA0] =	sst s10  }
0x32: {  	s10 =	sld [smem:$0x3F9E];
	_ =	sdelay $0x3  }
0x33: {  	p0 =	seq.s32 s10, $0x1;
	s10 =	sld [smem:$0x3FA0];
	_ =	sdelay $0x3  }
0x34: {  	[smem:$0x3FA0] =	sst s10  }
0x35: {  	s10 =	sld [smem:$0x3F9F];
	_ =	sdelay $0x3  }
0x36: {  	p1 =	seq.s32 s10, $0x1;
	s10 =	sld [smem:$0x3FA0];
	_ =	sdelay $0x3  }
0x37: {  	[smem:$0x3FA0] =	sst s10  }
0x38: {  	s10 =	sld [smem:$0x3FA1]  }
0x39: {  	_ = 	snop;
	(pc) =	sbr.ind lr, $3  }
0x3a: {  	_ = 	snop  }
0x3b: {  	_ = 	snop  }
0x3c: {  	p2 =	seq.s32 s10, $0x1;
	s10 =	sld [smem:$0x3FA0]  }
0x3d: {  	_ =	shalt  }
0x3e: {  	_ =	shalt  }
0x3f: {  	_ =	shalt  }
0x40: {  	_ =	shalt  }
0x41: {  	_ =	shalt  }
0x42: {  	_ =	shalt  }
0x43: {  	_ =	shalt  }
0x44: {  	_ =	shalt  }
0x45: {  	_ =	shalt  }
0x46: {  	_ =	shalt  }
0x47: {  	_ =	shalt  }
0x48: {  	_ =	shalt  }
0x49: {  	_ =	shalt  }
0x4a: {  	_ =	shalt  }
0x4b: {  	_ =	shalt  }
0x4c: {  	_ =	shalt  }
0x4d: {  	_ =	shalt  }
0x4e: {  	_ =	shalt  }
0x4f: {  	_ =	shalt  }
0x50: {  	_ =	shalt  }
0x51: {  	_ =	shalt  }
0x52: {  	_ =	shalt  }
0x53: {  	_ =	shalt  }
0x54: {  	_ =	shalt  }
0x55: {  	_ =	shalt  }
0x56: {  	_ =	shalt  }
0x57: {  	_ =	shalt  }
0x58: {  	_ =	shalt  }
0x59: {  	_ =	shalt  }
0x5a: {  	_ =	shalt  }
0x5b: {  	_ =	shalt  }
0x5c: {  	_ =	shalt  }
0x5d: {  	_ =	shalt  }
0x5e: {  	_ =	shalt  }
0x5f: {  	_ =	shalt  }
0x60: {  	_ =	shalt  }
0x61: {  	_ =	shalt  }
0x62: {  	_ =	shalt  }
0x63: {  	_ =	shalt  }
0x64: {  	_ =	shalt  }
0x65: {  	_ =	shalt  }
0x66: {  	_ =	shalt  }
0x67: {  	_ =	shalt  }
0x68: {  	_ =	shalt  }
0x69: {  	_ =	shalt  }
0x6a: {  	_ =	shalt  }
0x6b: {  	_ =	shalt  }
0x6c: {  	_ =	shalt  }
0x6d: {  	_ =	shalt  }
0x6e: {  	_ =	shalt  }
0x6f: {  	_ =	shalt  }
0x70: {  	_ =	shalt  }
0x71: {  	_ =	shalt  }
0x72: {  	_ =	shalt  }
0x73: {  	_ =	shalt  }
0x74: {  	_ =	shalt  }
0x75: {  	_ =	shalt  }
0x76: {  	_ =	shalt  }
0x77: {  	_ =	shalt  }
0x78: {  	_ =	shalt  }
0x79: {  	_ =	shalt  }
0x7a: {  	_ =	shalt  }
0x7b: {  	_ =	shalt  }
0x7c: {  	_ =	shalt  }
0x7d: {  	_ =	shalt  }
0x7e: {  	_ =	shalt  }
0x7f: {  	_ =	shalt  }
0x80: {  	_ =	shalt  }
0x81: {  	_ =	shalt  }
0x82: {  	_ =	shalt  }
0x83: {  	_ =	shalt  }
0x84: {  	_ =	shalt  }
0x85: {  	_ =	shalt  }
0x86: {  	_ =	shalt  }
0x87: {  	_ =	shalt  }
.Lfunc_end0:
.L_simem_size_0:
called_computation_lowered:
.L_overlay_start_0:
0x88: {  	s2 =	sld [smem:$0x3FD9]  }
0x89: {  	s3 =	sld [smem:$0x3FFE];
	_ =	sdelay $0x1  }
0x8a: {  	s1 =	srdreg.scid  }
0x8b: {  	s0 =	sand.u32 $0x1, s1  }
0x8c: {  	s17 =	sshll.u32 s0, $0xA;
	s2 =	sadd.s32 s3, s2  }
0x8d: {  	s2 =	sadd.s32 s2, s17  }
0x8e: {  	[smem:$0x3FAC] =	sst s2  }
0x8f: {  	_ = 	snop  }
0x90: {  	s2 =	sld [smem:$0x3FC9];
	(tm) =	ssettm $0x1  }
0x91: {  	s18 =	sld [smem:$0x3FFB];
	_ =	sdelay $0x3  }
0x92: {  	_ =	strace s18  }
0x93: {  	s3 =	sld [smem:$0x3FFC];
	_ =	sdelay $0x3  }
0x94: {  	_ =	strace s3  }
0x95: {  	s3 =	sld [smem:$0x3FFD];
	_ =	sdelay $0x3  }
0x96: {  	_ =	strace s3  }
0x97: {  	_ =	strace $0x8FFFFFFF  }
0x98: {  	s19 =	sld [smem:$0x3FDB];
	_ =	sdelay $0x1  }
0x99: {  	s4 =	simm.s32 $_scs_section_size  }
0x9a: {  	s5 =	simm.s32 $_size__tile_overlayer_lowered;
	s6 =	simm.s32 $_tile_overlayer_lowered  }
0x9b: {  	s22 =	simm.s32 $0x1BFF;
	s21 =	sshll.u32 s6, $0x1;
	s3 =	sadd.s32 s4, s19  }
0x9c: {  	s7 =	simm.s32 $0x0;
	s20 =	sshll.u32 s5, $0x1;
	s5 =	sadd.s32 s21, s3  }
0x9d: {  	[timem:s7], [sflag:s22] =	dma.local [hbm:s5], s20  }
0x9e: {  	_ =	swait.ge [sflag:s22], s20  }
0x9f: {  	s4 =	ssub.s32 $0x0, s20;
	[sflag:s22] =	ssyncset.done $0x0  }
0xa0: {  	[sflag:s22] =	ssyncadd.s32 s4;
	_ =	sdelay $0x1  }
0xa1: {  	s23 =	simm.s32 $0x1B8B  }
0xa2: {  	_ =	swait.ge [sflag:s23], $0x1  }
0xa3: {  	[sflag:s23] =	ssyncset.done $0x0  }
0xa4: {  	s25 =	simm.s32 $0x1B8E;
	s24 =	sld [smem:$0x3FFE];
	[sflag:s23] =	ssyncadd.s32 $0xFFFFFFFF  }
0xa5: {  	s26 =	simm.s32 $execute0_lowered;
	[smem:$0x3FD2] =	sst s25  }
0xa6: {  	s5 =	sshll.u32 s26, $0x1;
	_ =	strace $0x80000046;
	[dreg:$0x1] =	wrdreg $0xFFFFFFFF  }
0xa7: {  	s28 =	simm.s32 $_size_execute0_lowered;
	s3 =	sadd.s32 s3, s5;
	[dreg:$0x0] =	wrdreg $0x0  }
0xa8: {  	s5 =	sshll.u32 s28, $0x1;
	[dreg:$0x2] =	wrdreg s3  }
0xa9: {  	[dreg:$0x3] =	wrdreg s5  }
0xaa: {  	[dreg:$0x4] =	wrdreg $0xC0  }
0xab: {  	_ =	task [dreg:s7], $0x5FFFF  }
0xac: {  	[dreg:$0x1] =	wrdreg $0xFFFFFFFF  }
0xad: {  	[dreg:$0x0] =	wrdreg $0x60  }
0xae: {  	[dreg:$0x2] =	wrdreg s2  }
0xaf: {  	[dreg:$0x3] =	wrdreg s24  }
0xb0: {  	[dreg:$0x4] =	wrdreg $0x0  }
0xb1: {  	[dreg:$0x5] =	wrdreg $0x9  }
0xb2: {  	_ =	task.clear_ibuf [dreg:s7], $0x6FFFF;
	_ =	strace $0x90000046  }
0xb3: {  	s29 =	simm.s32 $0x9;
	_ =	strace $0x80000048  }
0xb4: {  	_ =	swait.ge [sflag:s29], $0x1  }
0xb5: {  	[sflag:s29] =	ssyncadd.s32 $0xFFFFFFFF  }
0xb6: {  	_ =	strace $0x90000048  }
0xb7: {  	_ =	sfence  }
0xb8: {  	s30 =	sld [smem:$0x0];
	_ =	sdelay $0x2  }
0xb9: {  	s31 =	sshll.u32 s1, $0xD;
	s1 =	sshrl.u32 s1, $0x2  }
0xba: {  	s3 =	sand.u32 $0x4000, s31;
	s1 =	sadd.s32 s1, s30  }
0xbb: {  	s0 =	sor.u32 s3, s0;
	s1 =	sshll.u32 s1, $0x11  }
0xbc: {  	s0 =	sor.u32 s1, s0  }
0xbd: {  	s0 =	sadd.s32 $0x8F2B, s0  }
0xbe: {  	[sflag:s0] =	ssyncadd.remote.s32 $0x1  }
0xbf: {  	_ =	sfence.sel $0xFFFF  }
0xc0: {  	[dreg:$0x0] =	wrdreg $0xFFFFFFFF;
	(pc) =	sbr.abs _section_cstart, $3  }
0xc1: {  	[dreg:$0x1] =	wrdreg $0xFFFFFFFF  }
0xc2: {  	_ =	task.clear_ibuf [dreg:s7], $0x2FFFF;
	_ =	strace $0x9FFFFFFF  }
0xc3: {  	(tm) =	ssettm $0x7FFFFFFF  }
tec
execute0_lowered:
.L_overlay_start_1:
0x0: {  	(tag) =	ssettag $0x1  }
0x1: {  	s1 =	rddreg [dreg:$0x0]  }
0x2: {  	s0 =	rddreg [dreg:$0x1]  }
0x3: {  	s3 =	rddreg [dreg:$0x2]  }
0x4: {  	s2 =	simm.s32 $0x0;
	s7 =	srdreg.scid;
	s21 =	simm.s32 $0x13880  }
0x5: {  	s22 =	simm.s32 $0x14C80;
	s23 =	simm.s32 $0x5;
	s28 =	simm.s32 $0x13900  }
0x6: {  	s29 =	simm.s32 $0x1A080;
	s30 =	simm.s32 $0x1;
	s31 =	simm.s32 $0x2  }
0x7: {  	[smem:$0x7FF] =	sst s2;
	s2 =	stileid.u32;
	s5 =	sadd.s32 $0x5200, s0  }
0x8: {  	s6 =	sadd.s32 $0xF200, s0;
	s15 =	sadd.s32 $0x40400, s0;
	s7 =	sand.u32 $0x1, s7  }
0x9: {  	s16 =	sadd.s32 $0x67600, s0;
	_ =	strace $0x80000047;
	s4 =	smul.u32 $0x2800, s2  }
0xa: {  	s8 =	ssub.s32 $0x2, s7;
	s9 =	sshll.u32 s7, $0x4;
	s12 =	smul.u32 $0x50000, s2  }
0xb: {  	p0 =	seq.s32 s2, $0xF;
	p3 =	sne.s32 s2, $0xF;
	[dreg:$0x4] =	wrdreg s15  }
0xc: {  	p4 =	seq.s32 s7, $0x0;
	p1 =	seq.s32 s7, $0x1;
	[dreg:$0x5] =	wrdreg s16  }
0xd: {  	s11 =	sshrl.u32 s8, $0x1;
	s9 =	sor.u32 s2, s9;
	p2 =	por !p4, !p3  }
0xe: {  	p4 =	por !p4, !p0;
	p5 =	por !p3, !p1;
	s10 =	sadd.s32 s4, s0  }
0xf: {  	s17 =	ssub.s32 s8, s11;
	s24 =	smul.u32 $0x2800, s9;
	s8 =	sadd.s32 $0x12C000, s3  }
0x10: {  	s25 =	sshrl.u32 s12, $0x2;
	s0 =	sadd.s32 $0x3EA00, s0;
	p2 =	por !p2, !p2  }
0x11: {  	s15 =	sadd.s32 s15, s4;
	p3 =	por !p4, !p4;
	p6 =	por !p5, !p5  }
0x12: {  	s16 =	sadd.s32 s16, s4;
	[dreg:$0x7] =	wrdreg s0;
	s9 =	sadd.s32 s25, s3  }
0x13: {  	s10 =	sadd.s32 $0x19200, s10;
	s17 =	smax.u32 s17, $0x1;
	s0 =	sshll.u32 @!p0 s2, $0x6  }
0x14: {  	[dreg:$0x6] =	wrdreg s8;
	s18 =	sshrl.u32 @p0 s8, $0x3;
	s25 =	simm.s32 $0x7D  }
.Ltmp0:
0x15: {  	p4 =	por !p6, p3;
	s26 =	sshrl.u32 s24, $0x3;
	(pc) =	sbr.rel .LBB2_1-.Ltmp0, $4  }
0x16: {  	s19 =	sor.u32 @!p0 $0x1C03, s0;
	s20 =	sshrl.u32 @!p0 s9, $0x3;
	s24 =	simm.s32 $0x4  }
0x17: {  	s0 =	simm.s32 $0x15F80;
	s11 =	sadd.s32 s5, s26;
	s14 =	sadd.s32 $0x280, s26  }
0x18: {  	s12 =	sadd.s32 s6, s26;
	s26 =	simm.s32 $0x16080;
	s13 =	sadd.s32 s5, s14  }
0x19: {  	s14 =	sadd.s32 s6, s14;
	s5 =	simm.s32 $0x16000;
	s6 =	simm.s32 $0x0  }
.LBB2_7:
0x1a: {  	s6 =	sadd.s32 $0x1, s6  }
0x1b: {  	p5 =	sne.s32 s6, s17  }
.Ltmp1:
0x1c: {  	_ = 	snop;
	(pc) =	sbr.rel @!p5 .LBB2_8-.Ltmp1, $1  }
0x1d: {  	_ =	sdelay $0x3  }
.LBB2_1:
0x1e: {  	s4 =	simm.s32 @p0 $0x1FC3;
	s7 =	rddreg [dreg:$0x7]  }
0x1f: {  	[spmem:s18], [sflag:s4] =	dma.local @p0 [hbm:s7], $0x1900  }
0x20: {  	s7 =	simm.s32 $0x0  }
0x21: {  	[spmem:s20], [sflag:s19] =	dma.local @!p0 [hbm:s10], $0x2800  }
0x22: {  	[tilespmem:s21], [sflag:$0x4] =	stream.linear.gather [hbm4b:s11+s7], $0x1400, $0x38;
	[tilespmem:$0x1E080] =	vst v63  }
0x23: {  	_ = 	snop  }
0x24: {  	[tilespmem:s22], [sflag:$0x5] =	stream.linear.gather [hbm4b:s12+s7], $0x1400, $0x38;
	[tilespmem:$0x1E080] =	vst v63  }
0x25: {  	_ =	swait.ge [sflag:s23], $0x1400  }
0x26: {  	[sflag:s23] =	ssyncset.done $0x0  }
0x27: {  	[sflag:s23] =	ssyncadd.s32 $0xFFFFEC00  }
0x28: {  	_ =	swait.ge [sflag:s24], $0x1400  }
0x29: {  	[sflag:s24] =	ssyncset.done $0x0  }
0x2a: {  	[sflag:s24] =	ssyncadd.s32 $0xFFFFEC00  }
0x2b: {  	[tilespmem:s26], [sflag:$0x1] =	stream.indirect.gather [hbm4b:s1+s25], $0x80, s21, s25, $0xb8;
	[tilespmem:$0x1E080] =	vst v63  }
0x2c: {  	s4 =	simm.s32 @p0 $0x3  }
0x2d: {  	[tilespmem:s29], [sflag:$0x2] =	stream.indirect.gather [hbm4b:s1+s25], $0x80, s28, s25, $0xb8;
	[tilespmem:$0x1E080] =	vst v63  }
0x2e: {  	_ =	swait.ge @p0 [sflag:s4], $0x1900  }
0x2f: {  	[sflag:s4] =	ssyncset.done @p0 $0x0  }
0x30: {  	[sflag:s4] =	ssyncadd.s32 @p0 $0xFFFFE700;
	s4 =	simm.s32 @!p0 $0x3  }
0x31: {  	_ =	swait.ge @!p0 [sflag:s4], $0x2800  }
0x32: {  	[sflag:s4] =	ssyncset.done @!p0 $0x0  }
0x33: {  	[sflag:s4] =	ssyncadd.s32 @!p0 $0xFFFFD800  }
0x34: {  	[bflag:$0x0] =	sbarrier.arrive $0xFFFF  }
0x35: {  	_ =	swait.ge [sflag:s30], $0x3E80  }
0x36: {  	[sflag:s30] =	ssyncset.done $0x0  }
0x37: {  	s8 =	simm.s32 $0x14C80;
	[sflag:s30] =	ssyncadd.s32 $0xFFFFC180  }
0x38: {  	[spmem:s3] =	stream.indirect.scatter.add.f32 [tilespmem:s26], [sflag:$0x5], $0x80, s8, s25, $0xb8;
	[tilespmem:$0x1E080] =	vst v63  }
0x39: {  	_ =	swait.ge [sflag:s23], $0x3E80  }
0x3a: {  	[sflag:s23] =	ssyncset.done $0x0  }
0x3b: {  	s7 =	simm.s32 $0x13980;
	[sflag:s23] =	ssyncadd.s32 $0xFFFFC180  }
0x3c: {  	[tilespmem:s26], [sflag:$0x1] =	stream.indirect.gather [hbm4b:s1+s25], $0x80, s7, s25, $0xb8;
	[tilespmem:$0x1E080] =	vst v63  }
0x3d: {  	_ =	swait.ge [sflag:s31], $0x3E80  }
0x3e: {  	[sflag:s31] =	ssyncset.done $0x0  }
0x3f: {  	s8 =	simm.s32 $0x14D00;
	[sflag:s31] =	ssyncadd.s32 $0xFFFFC180  }
0x40: {  	[spmem:s3] =	stream.indirect.scatter.add.f32 [tilespmem:s29], [sflag:$0x5], $0x80, s8, s25, $0xb8;
	[tilespmem:$0x1E080] =	vst v63  }
0x41: {  	_ =	swait.ge [sflag:s23], $0x3E80  }
0x42: {  	[sflag:s23] =	ssyncset.done $0x0  }
0x43: {  	s4 =	simm.s32 $0x13A00;
	s7 =	simm.s32 $0x400;
	[sflag:s23] =	ssyncadd.s32 $0xFFFFC180  }
.LBB2_2:
0x44: {  	[tilespmem:s29], [sflag:$0x2] =	stream.indirect.gather [hbm4b:s1+s25], $0x80, s4, s25, $0xb8;
	[tilespmem:$0x1E080] =	vst v63  }
0x45: {  	s4 =	smov.u32 s7  }
0x46: {  	p5 =	sne.s32 s7, $0x4800;
	s7 =	sadd.s32 $0x400, s7;
	_ =	swait.ge [sflag:s30], $0x3E80  }
0x47: {  	s4 =	sshra.s32 s4, $0x2;
	[sflag:s30] =	ssyncset.done $0x0  }
0x48: {  	s8 =	sadd.s32 $0x14C80, s4;
	[sflag:s30] =	ssyncadd.s32 $0xFFFFC180  }
0x49: {  	[spmem:s3] =	stream.indirect.scatter.add.f32 [tilespmem:s26], [sflag:$0x5], $0x80, s8, s25, $0xb8;
	[tilespmem:$0x1E080] =	vst v63  }
0x4a: {  	_ =	swait.ge [sflag:s23], $0x3E80  }
0x4b: {  	[sflag:s23] =	ssyncset.done $0x0  }
0x4c: {  	s8 =	sadd.s32 $0x13980, s4;
	[sflag:s23] =	ssyncadd.s32 $0xFFFFC180  }
0x4d: {  	[tilespmem:s26], [sflag:$0x1] =	stream.indirect.gather [hbm4b:s1+s25], $0x80, s8, s25, $0xb8;
	[tilespmem:$0x1E080] =	vst v63  }
0x4e: {  	_ =	swait.ge [sflag:s31], $0x3E80  }
0x4f: {  	[sflag:s31] =	ssyncset.done $0x0  }
.Ltmp2:
0x50: {  	s8 =	sadd.s32 $0x14D00, s4;
	[sflag:s31] =	ssyncadd.s32 $0xFFFFC180;
	(pc) =	sbr.rel @p5 .LBB2_2-.Ltmp2, $4  }
0x51: {  	[spmem:s3] =	stream.indirect.scatter.add.f32 [tilespmem:s29], [sflag:$0x5], $0x80, s8, s25, $0xb8;
	[tilespmem:$0x1E080] =	vst v63  }
0x52: {  	_ =	swait.ge [sflag:s23], $0x3E80  }
0x53: {  	[sflag:s23] =	ssyncset.done $0x0  }
0x54: {  	s4 =	sadd.s32 $0x13A00, s4;
	[sflag:s23] =	ssyncadd.s32 $0xFFFFC180  }
0x55: {  	[tilespmem:s29], [sflag:$0x2] =	stream.indirect.gather [hbm4b:s1+s25], $0x80, s4, s25, $0xb8;
	[tilespmem:$0x1E080] =	vst v63  }
0x56: {  	_ =	swait.ge [sflag:s30], $0x3E80  }
0x57: {  	[sflag:s30] =	ssyncset.done $0x0  }
0x58: {  	[sflag:s30] =	ssyncadd.s32 $0xFFFFC180  }
0x59: {  	[spmem:s3] =	stream.indirect.scatter.add.f32 [tilespmem:s26], [sflag:$0x5], $0x80, s0, s25, $0xb8;
	[tilespmem:$0x1E080] =	vst v63  }
0x5a: {  	_ =	swait.ge [sflag:s23], $0x3E80  }
0x5b: {  	[sflag:s23] =	ssyncset.done $0x0  }
0x5c: {  	[sflag:s23] =	ssyncadd.s32 $0xFFFFC180  }
0x5d: {  	_ =	swait.ge [sflag:s31], $0x3E80  }
0x5e: {  	[sflag:s31] =	ssyncset.done $0x0  }
0x5f: {  	[sflag:s31] =	ssyncadd.s32 $0xFFFFC180  }
0x60: {  	[spmem:s3] =	stream.indirect.scatter.add.f32 [tilespmem:s29], [sflag:$0x5], $0x80, s5, s25, $0xb8;
	[tilespmem:$0x1E080] =	vst v63  }
0x61: {  	_ =	swait.ge [sflag:s23], $0x3E80  }
0x62: {  	[sflag:s23] =	ssyncset.done $0x0  }
0x63: {  	s7 =	simm.s32 $0x0;
	[sflag:s23] =	ssyncadd.s32 $0xFFFFC180  }
0x64: {  	[tilespmem:s21], [sflag:$0x4] =	stream.linear.gather [hbm4b:s13+s7], $0x1400, $0x38;
	[tilespmem:$0x1E080] =	vst v63  }
0x65: {  	_ = 	snop  }
0x66: {  	[tilespmem:s22], [sflag:$0x5] =	stream.linear.gather [hbm4b:s14+s7], $0x1400, $0x38;
	[tilespmem:$0x1E080] =	vst v63  }
0x67: {  	_ =	swait.ge [sflag:s23], $0x1400  }
0x68: {  	[sflag:s23] =	ssyncset.done $0x0  }
0x69: {  	[sflag:s23] =	ssyncadd.s32 $0xFFFFEC00  }
0x6a: {  	_ =	swait.ge [sflag:s24], $0x1400  }
0x6b: {  	[sflag:s24] =	ssyncset.done $0x0  }
0x6c: {  	[sflag:s24] =	ssyncadd.s32 $0xFFFFEC00  }
0x6d: {  	[tilespmem:s26], [sflag:$0x1] =	stream.indirect.gather [hbm4b:s1+s25], $0x80, s21, s25, $0xb8;
	[tilespmem:$0x1E080] =	vst v63  }
0x6e: {  	_ = 	snop  }
0x6f: {  	[tilespmem:s29], [sflag:$0x2] =	stream.indirect.gather [hbm4b:s1+s25], $0x80, s28, s25, $0xb8;
	[tilespmem:$0x1E080] =	vst v63  }
0x70: {  	_ =	swait.ge [sflag:s30], $0x3E80  }
0x71: {  	[sflag:s30] =	ssyncset.done $0x0  }
0x72: {  	s8 =	simm.s32 $0x14C80;
	[sflag:s30] =	ssyncadd.s32 $0xFFFFC180  }
0x73: {  	[spmem:s3] =	stream.indirect.scatter.add.f32 [tilespmem:s26], [sflag:$0x5], $0x80, s8, s25, $0xb8;
	[tilespmem:$0x1E080] =	vst v63  }
0x74: {  	_ =	swait.ge [sflag:s23], $0x3E80  }
0x75: {  	[sflag:s23] =	ssyncset.done $0x0  }
0x76: {  	s7 =	simm.s32 $0x13980;
	[sflag:s23] =	ssyncadd.s32 $0xFFFFC180  }
0x77: {  	[tilespmem:s26], [sflag:$0x1] =	stream.indirect.gather [hbm4b:s1+s25], $0x80, s7, s25, $0xb8;
	[tilespmem:$0x1E080] =	vst v63  }
0x78: {  	_ =	swait.ge [sflag:s31], $0x3E80  }
0x79: {  	[sflag:s31] =	ssyncset.done $0x0  }
0x7a: {  	s8 =	simm.s32 $0x14D00;
	[sflag:s31] =	ssyncadd.s32 $0xFFFFC180  }
0x7b: {  	[spmem:s3] =	stream.indirect.scatter.add.f32 [tilespmem:s29], [sflag:$0x5], $0x80, s8, s25, $0xb8;
	[tilespmem:$0x1E080] =	vst v63  }
0x7c: {  	_ =	swait.ge [sflag:s23], $0x3E80  }
0x7d: {  	[sflag:s23] =	ssyncset.done $0x0  }
0x7e: {  	s4 =	simm.s32 $0x13A00;
	s7 =	simm.s32 $0x400;
	[sflag:s23] =	ssyncadd.s32 $0xFFFFC180  }
.LBB2_4:
0x7f: {  	[tilespmem:s29], [sflag:$0x2] =	stream.indirect.gather [hbm4b:s1+s25], $0x80, s4, s25, $0xb8;
	[tilespmem:$0x1E080] =	vst v63  }
0x80: {  	s4 =	smov.u32 s7  }
0x81: {  	p5 =	sne.s32 s7, $0x4800;
	s7 =	sadd.s32 $0x400, s7;
	_ =	swait.ge [sflag:s30], $0x3E80  }
0x82: {  	s4 =	sshra.s32 s4, $0x2;
	[sflag:s30] =	ssyncset.done $0x0  }
0x83: {  	s8 =	sadd.s32 $0x14C80, s4;
	[sflag:s30] =	ssyncadd.s32 $0xFFFFC180  }
0x84: {  	[spmem:s3] =	stream.indirect.scatter.add.f32 [tilespmem:s26], [sflag:$0x5], $0x80, s8, s25, $0xb8;
	[tilespmem:$0x1E080] =	vst v63  }
0x85: {  	_ =	swait.ge [sflag:s23], $0x3E80  }
0x86: {  	[sflag:s23] =	ssyncset.done $0x0  }
0x87: {  	s8 =	sadd.s32 $0x13980, s4;
	[sflag:s23] =	ssyncadd.s32 $0xFFFFC180  }
0x88: {  	[tilespmem:s26], [sflag:$0x1] =	stream.indirect.gather [hbm4b:s1+s25], $0x80, s8, s25, $0xb8;
	[tilespmem:$0x1E080] =	vst v63  }
0x89: {  	_ =	swait.ge [sflag:s31], $0x3E80  }
0x8a: {  	[sflag:s31] =	ssyncset.done $0x0  }
.Ltmp3:
0x8b: {  	s8 =	sadd.s32 $0x14D00, s4;
	[sflag:s31] =	ssyncadd.s32 $0xFFFFC180;
	(pc) =	sbr.rel @p5 .LBB2_4-.Ltmp3, $4  }
0x8c: {  	[spmem:s3] =	stream.indirect.scatter.add.f32 [tilespmem:s29], [sflag:$0x5], $0x80, s8, s25, $0xb8;
	[tilespmem:$0x1E080] =	vst v63  }
0x8d: {  	_ =	swait.ge [sflag:s23], $0x3E80  }
0x8e: {  	[sflag:s23] =	ssyncset.done $0x0  }
0x8f: {  	s4 =	sadd.s32 $0x13A00, s4;
	[sflag:s23] =	ssyncadd.s32 $0xFFFFC180  }
0x90: {  	[tilespmem:s29], [sflag:$0x2] =	stream.indirect.gather [hbm4b:s1+s25], $0x80, s4, s25, $0xb8;
	[tilespmem:$0x1E080] =	vst v63  }
0x91: {  	_ =	swait.ge [sflag:s30], $0x3E80  }
0x92: {  	[sflag:s30] =	ssyncset.done $0x0  }
0x93: {  	[sflag:s30] =	ssyncadd.s32 $0xFFFFC180  }
0x94: {  	[spmem:s3] =	stream.indirect.scatter.add.f32 [tilespmem:s26], [sflag:$0x5], $0x80, s0, s25, $0xb8;
	[tilespmem:$0x1E080] =	vst v63  }
0x95: {  	_ =	swait.ge [sflag:s23], $0x3E80  }
0x96: {  	[sflag:s23] =	ssyncset.done $0x0  }
0x97: {  	[sflag:s23] =	ssyncadd.s32 $0xFFFFC180  }
0x98: {  	_ =	swait.ge [sflag:s31], $0x3E80  }
0x99: {  	[sflag:s31] =	ssyncset.done $0x0  }
0x9a: {  	[sflag:s31] =	ssyncadd.s32 $0xFFFFC180  }
0x9b: {  	[spmem:s3] =	stream.indirect.scatter.add.f32 [tilespmem:s29], [sflag:$0x5], $0x80, s5, s25, $0xb8;
	[tilespmem:$0x1E080] =	vst v63  }
0x9c: {  	_ =	swait.ge [sflag:s23], $0x3E80  }
0x9d: {  	s4 =	sshll.u32 @p2 s2, $0x6;
	s7 =	sshrl.u32 @p2 s9, $0x3;
	[sflag:s23] =	ssyncset.done $0x0  }
0x9e: {  	p5 =	por @!p4 $0x1, $0x1;
	p6 =	por p1, p1;
	[sflag:s23] =	ssyncadd.s32 $0xFFFFC180  }
0x9f: {  	s4 =	sor.u32 @p2 $0x1C05, s4;
	p6 =	por @!p4 p5, p5;
	[bflag:$0x0] =	sbarrier.arrive $0xFFFF  }
0xa0: {  	[hbm:s15], [sflag:s4] =	dma.local @p2 [spmem:s7], $0x2800  }
0xa1: {  	p5 =	por @!p3 !p6, !p0;
	s4 =	simm.s32 @p2 $0x5  }
0xa2: {  	p5 =	por @!p3 !p5, !p5;
	_ =	swait.ge @p2 [sflag:s4], $0x2800  }
0xa3: {  	p5 =	por p3, p5;
	s7 =	sshll.u32 @!p4 s2, $0x6;
	[sflag:s4] =	ssyncset.done @p2 $0x0  }
0xa4: {  	[sflag:s4] =	ssyncadd.s32 @p2 $0xFFFFD800;
	s4 =	sor.u32 @!p4 $0x1C05, s7;
	s7 =	sshrl.u32 @!p4 s9, $0x3  }
0xa5: {  	[hbm:s16], [sflag:s4] =	dma.local @!p4 [spmem:s7], $0x2800  }
.Ltmp4:
0xa6: {  	_ = 	snop;
	(pc) =	sbr.rel @!p5 .LBB2_7-.Ltmp4, $4  }
0xa7: {  	s4 =	simm.s32 @!p4 $0x5  }
0xa8: {  	_ =	swait.ge @!p4 [sflag:s4], $0x2800  }
0xa9: {  	[sflag:s4] =	ssyncset.done @!p4 $0x0  }
0xaa: {  	[sflag:s4] =	ssyncadd.s32 @!p4 $0xFFFFD800  }
0xab: {  	s4 =	rddreg [dreg:$0x5]  }
0xac: {  	s7 =	rddreg [dreg:$0x4]  }
0xad: {  	s8 =	rddreg [dreg:$0x6]  }
0xae: {  	s4 =	smov.u32 @p3 s7;
	s7 =	sshrl.u32 s8, $0x3  }
.Ltmp5:
0xaf: {  	s8 =	simm.s32 $0x1FC5;
	s4 =	sadd.s32 $0x25800, s4;
	(pc) =	sbr.rel .LBB2_7-.Ltmp5, $4  }
0xb0: {  	[hbm:s4], [sflag:s8] =	dma.local [spmem:s7], $0x1900  }
0xb1: {  	_ =	swait.ge [sflag:s23], $0x1900  }
0xb2: {  	[sflag:s23] =	ssyncset.done $0x0  }
0xb3: {  	[sflag:s23] =	ssyncadd.s32 $0xFFFFE700  }
.LBB2_8:
0xb4: {  	_ =	sfence.sel $0x180000  }
0xb5: {  	[bflag:$0x0] =	sbarrier.arrive $0xFFFF  }
0xb6: {  	_ =	strace $0x90000047  }
0xb7: {  	[bflag:$0x2] =	sbarrier.arrive $0xFFFF  }
0xb8: {  	p0 =	sne.s32 s2, $0x0;
	s0 =	rddreg [dreg:$0x3]  }
0xb9: {  	s0 =	sadd.s32 @!p0 $0x100000, s0  }
0xba: {  	[sflag:s0] =	ssyncadd.tile.s32 @!p0 $0x1;
	_ =	shalt  }
.Lfunc_end2:
_tile_overlayer_lowered:
.L_overlay_start_2:
0xbb: {  	(tag) =	ssettag $0x2  }
0xbc: {  	s0 =	rddreg [dreg:$0x0];
	s2 =	stileid.u32  }
0xbd: {  	s1 =	rddreg [dreg:$0x1];
	p0 =	sne.s32 s2, $0x0  }
0xbe: {  	s3 =	rddreg [dreg:$0x2];
	[bflag:$0x3] =	sbarrier.arrive $0xFFFF;
	s2 =	simm.s32 @!p0 $0x1C05  }
0xbf: {  	[timem:s3], [sflag:s2] =	dma.local @!p0 [hbm:s0], s1  }
0xc0: {  	s0 =	simm.s32 @!p0 $0x5  }
0xc1: {  	_ =	swait.ge @!p0 [sflag:s0], s1  }
0xc2: {  	s1 =	ssub.s32 @!p0 $0x0, s1;
	[sflag:s0] =	ssyncset.done @!p0 $0x0  }
0xc3: {  	[sflag:s0] =	ssyncadd.s32 @!p0 s1  }
0xc4: {  	[bflag:$0x3] =	sbarrier.arrive $0xFFFF  }
0xc5: {  	_ =	shalt  }

// kernel: kernel.9.cloned.1.call-start
scs
__scs_entry_jumppad:
0x0: {  	(pc) =	sbr.rel $0x88, $3  }
0x1: {  	(tag) =	ssettag $0x0;
	lr =	simm.s32 $0x1  }
0x2: {  	[smem:$0x3F85] =	sst lr;
	_ =	strace $0xD0000000  }
0x3: {  	_ = 	snop  }
0x4: {  	_ = 	snop  }
0x5: {  	_ = 	snop  }
0x6: {  	_ = 	snop  }
0x7: {  	_ = 	snop  }
__scs_overlays_trampoline_lowered:
0x8: {  	[smem:$0x3F94] =	sst s0  }
0x9: {  	[smem:$0x3F95] =	sst s1  }
0xa: {  	[smem:$0x3F96] =	sst s2  }
0xb: {  	[smem:$0x3F97] =	sst s3  }
0xc: {  	[smem:$0x3F98] =	sst s4  }
0xd: {  	[smem:$0x3F99] =	sst s5  }
0xe: {  	[smem:$0x3F9A] =	sst s6  }
0xf: {  	[smem:$0x3F9B] =	sst s7  }
0x10: {  	[smem:$0x3F9C] =	sst s8  }
0x11: {  	[smem:$0x3F9D] =	sst s9;
	s0 =	simm.s32 @!p0 $0x0  }
0x12: {  	s1 =	sld [smem:$0x3F83];
	s0 =	simm.s32 @p0 $0x1  }
0x13: {  	[smem:$0x3F9E] =	sst s0;
	s0 =	simm.s32 @!p1 $0x0  }
0x14: {  	s2 =	sld [smem:$0x3F82];
	s0 =	simm.s32 @p1 $0x1  }
0x15: {  	[smem:$0x3F9F] =	sst s0;
	s0 =	simm.s32 @!p2 $0x0  }
0x16: {  	s3 =	sld [smem:$0x3FDB];
	s0 =	simm.s32 @p2 $0x1  }
0x17: {  	s4 =	simm.s32 $0x1BF5;
	[smem:$0x3FA1] =	sst s0  }
0x18: {  	s0 =	sld [smem:$0x3F84];
	_ =	swait.ge [sflag:s4], $0x0  }
0x19: {  	s7 =	sld [smem:$0x3F85]  }
0x1a: {  	s8 =	sadd.s32 $0xFFFFE003, lr  }
0x1b: {  	s9 =	sadd.s32 $0xFFFFFEF7, lr;
	s5 =	simm.s32 $0xFFFFFFFF;
	p2 =	slt.u32 s8, $0xFFFFF086  }
0x1c: {  	p1 =	slt.u32 s9, $0xF7A;
	s5 =	simm.s32 @!p2 $0x0  }
0x1d: {  	s5 =	simm.s32 @p1 $0x1;
	p0 =	seq.s32 s7, s2  }
0x1e: {  	s7 =	smul.u32 @!p0 $0xF7A, s2;
	p2 =	seq.s32 @!p0 s5, $0x0  }
0x1f: {  	s9 =	smul.u32 $0xF7A, s1;
	s8 =	simm.s32 @!p0 $0x1BF5;
	p2 =	por !p2, p0  }
0x20: {  	[sflag:s8] =	ssyncset.s32 @!p0 $0xFFFFF086;
	s6 =	sadd.s32 @!p0 s3, s7;
	s7 =	simm.s32 @!p0 $0x108  }
0x21: {  	s3 =	sadd.s32 s3, s9;
	s6 =	sadd.s32 @!p0 $0x88, s6;
	s7 =	simm.s32 @p2 $0x1082  }
0x22: {  	[simem:s7], [sflag:s8] =	dma.local @!p0 [hbm:s6], $0xF7A  }
0x23: {  	s9 =	sor.u32 $0xD0000000, s2;
	s6 =	simm.s32 $0x108;
	_ =	swait.ge @!p0 [sflag:s8], $0x0  }
0x24: {  	s3 =	sadd.s32 $0x88, s3;
	s6 =	simm.s32 @!p1 $0x1082;
	[sflag:s4] =	ssyncset.s32 $0xFFFFF086  }
0x25: {  	[simem:s6], [sflag:s4] =	dma.local [hbm:s3], $0xF7A  }
0x26: {  	[smem:$0x3F85] =	sst s1;
	(tag) =	ssettag s2;
	_ =	strace s9  }
0x27: {  	s1 =	sld [smem:$0x3F95]  }
0x28: {  	s2 =	sld [smem:$0x3F96]  }
0x29: {  	s4 =	sld [smem:$0x3F98]  }
0x2a: {  	p0 =	seq.s32 s5, $0x0;
	s5 =	sld [smem:$0x3F99]  }
0x2b: {  	s6 =	sld [smem:$0x3F9A]  }
0x2c: {  	s7 =	sld [smem:$0x3F9B]  }
0x2d: {  	s3 =	simm.s32 $0x108;
	s8 =	sld [smem:$0x3F9C]  }
0x2e: {  	s3 =	simm.s32 @!p0 $0x1082;
	s9 =	sld [smem:$0x3F9D]  }
0x2f: {  	lr =	sadd.s32 s0, s3;
	s0 =	sld [smem:$0x3F94]  }
0x30: {  	s3 =	sld [smem:$0x3F97]  }
0x31: {  	[smem:$0x3FA0] =	sst s10  }
0x32: {  	s10 =	sld [smem:$0x3F9E];
	_ =	sdelay $0x3  }
0x33: {  	p0 =	seq.s32 s10, $0x1;
	s10 =	sld [smem:$0x3FA0];
	_ =	sdelay $0x3  }
0x34: {  	[smem:$0x3FA0] =	sst s10  }
0x35: {  	s10 =	sld [smem:$0x3F9F];
	_ =	sdelay $0x3  }
0x36: {  	p1 =	seq.s32 s10, $0x1;
	s10 =	sld [smem:$0x3FA0];
	_ =	sdelay $0x3  }
0x37: {  	[smem:$0x3FA0] =	sst s10  }
0x38: {  	s10 =	sld [smem:$0x3FA1]  }
0x39: {  	_ = 	snop;
	(pc) =	sbr.ind lr, $3  }
0x3a: {  	_ = 	snop  }
0x3b: {  	_ = 	snop  }
0x3c: {  	p2 =	seq.s32 s10, $0x1;
	s10 =	sld [smem:$0x3FA0]  }
0x3d: {  	_ =	shalt  }
0x3e: {  	_ =	shalt  }
0x3f: {  	_ =	shalt  }
0x40: {  	_ =	shalt  }
0x41: {  	_ =	shalt  }
0x42: {  	_ =	shalt  }
0x43: {  	_ =	shalt  }
0x44: {  	_ =	shalt  }
0x45: {  	_ =	shalt  }
0x46: {  	_ =	shalt  }
0x47: {  	_ =	shalt  }
0x48: {  	_ =	shalt  }
0x49: {  	_ =	shalt  }
0x4a: {  	_ =	shalt  }
0x4b: {  	_ =	shalt  }
0x4c: {  	_ =	shalt  }
0x4d: {  	_ =	shalt  }
0x4e: {  	_ =	shalt  }
0x4f: {  	_ =	shalt  }
0x50: {  	_ =	shalt  }
0x51: {  	_ =	shalt  }
0x52: {  	_ =	shalt  }
0x53: {  	_ =	shalt  }
0x54: {  	_ =	shalt  }
0x55: {  	_ =	shalt  }
0x56: {  	_ =	shalt  }
0x57: {  	_ =	shalt  }
0x58: {  	_ =	shalt  }
0x59: {  	_ =	shalt  }
0x5a: {  	_ =	shalt  }
0x5b: {  	_ =	shalt  }
0x5c: {  	_ =	shalt  }
0x5d: {  	_ =	shalt  }
0x5e: {  	_ =	shalt  }
0x5f: {  	_ =	shalt  }
0x60: {  	_ =	shalt  }
0x61: {  	_ =	shalt  }
0x62: {  	_ =	shalt  }
0x63: {  	_ =	shalt  }
0x64: {  	_ =	shalt  }
0x65: {  	_ =	shalt  }
0x66: {  	_ =	shalt  }
0x67: {  	_ =	shalt  }
0x68: {  	_ =	shalt  }
0x69: {  	_ =	shalt  }
0x6a: {  	_ =	shalt  }
0x6b: {  	_ =	shalt  }
0x6c: {  	_ =	shalt  }
0x6d: {  	_ =	shalt  }
0x6e: {  	_ =	shalt  }
0x6f: {  	_ =	shalt  }
0x70: {  	_ =	shalt  }
0x71: {  	_ =	shalt  }
0x72: {  	_ =	shalt  }
0x73: {  	_ =	shalt  }
0x74: {  	_ =	shalt  }
0x75: {  	_ =	shalt  }
0x76: {  	_ =	shalt  }
0x77: {  	_ =	shalt  }
0x78: {  	_ =	shalt  }
0x79: {  	_ =	shalt  }
0x7a: {  	_ =	shalt  }
0x7b: {  	_ =	shalt  }
0x7c: {  	_ =	shalt  }
0x7d: {  	_ =	shalt  }
0x7e: {  	_ =	shalt  }
0x7f: {  	_ =	shalt  }
0x80: {  	_ =	shalt  }
0x81: {  	_ =	shalt  }
0x82: {  	_ =	shalt  }
0x83: {  	_ =	shalt  }
0x84: {  	_ =	shalt  }
0x85: {  	_ =	shalt  }
0x86: {  	_ =	shalt  }
0x87: {  	_ =	shalt  }
.Lfunc_end0:
.L_simem_size_0:
called_computation.1_lowered:
.L_overlay_start_0:
0x88: {  	s2 =	sld [smem:$0x3FD9]  }
0x89: {  	s3 =	sld [smem:$0x3FFE];
	_ =	sdelay $0x1  }
0x8a: {  	s1 =	srdreg.scid  }
0x8b: {  	s0 =	sand.u32 $0x1, s1  }
0x8c: {  	s16 =	sshll.u32 s0, $0xA;
	s2 =	sadd.s32 s3, s2  }
0x8d: {  	s2 =	sadd.s32 s2, s16  }
0x8e: {  	[smem:$0x3FAC] =	sst s2  }
0x8f: {  	_ = 	snop  }
0x90: {  	(tm) =	ssettm $0x1  }
0x91: {  	s17 =	sld [smem:$0x3FFB];
	_ =	sdelay $0x3  }
0x92: {  	_ =	strace s17  }
0x93: {  	s2 =	sld [smem:$0x3FFC];
	_ =	sdelay $0x3  }
0x94: {  	_ =	strace s2  }
0x95: {  	s2 =	sld [smem:$0x3FFD];
	_ =	sdelay $0x3  }
0x96: {  	_ =	strace s2  }
0x97: {  	_ =	strace $0x8FFFFFFF  }
0x98: {  	s18 =	sld [smem:$0x3FDB];
	_ =	sdelay $0x1  }
0x99: {  	s19 =	simm.s32 $_scs_section_size  }
0x9a: {  	s4 =	simm.s32 $_size__tile_overlayer_lowered;
	s5 =	simm.s32 $_tile_overlayer_lowered  }
0x9b: {  	s22 =	simm.s32 $0x1BFF;
	s21 =	sshll.u32 s5, $0x1;
	s2 =	sadd.s32 s19, s18  }
0x9c: {  	s6 =	simm.s32 $0x0;
	s20 =	sshll.u32 s4, $0x1;
	s4 =	sadd.s32 s21, s2  }
0x9d: {  	[timem:s6], [sflag:s22] =	dma.local [hbm:s4], s20  }
0x9e: {  	_ =	swait.ge [sflag:s22], s20  }
0x9f: {  	s3 =	ssub.s32 $0x0, s20;
	[sflag:s22] =	ssyncset.done $0x0  }
0xa0: {  	[sflag:s22] =	ssyncadd.s32 s3;
	_ =	sdelay $0x1  }
0xa1: {  	s23 =	simm.s32 $0x1B8B  }
0xa2: {  	_ =	swait.ge [sflag:s23], $0x1  }
0xa3: {  	[sflag:s23] =	ssyncset.done $0x0  }
0xa4: {  	s25 =	simm.s32 $0x1B8E;
	s24 =	sld [smem:$0x3FFE];
	[sflag:s23] =	ssyncadd.s32 $0xFFFFFFFF  }
0xa5: {  	s26 =	simm.s32 $execute0_lowered;
	[smem:$0x3FD2] =	sst s25  }
0xa6: {  	s4 =	sshll.u32 s26, $0x1;
	_ =	strace $0x80000049;
	[dreg:$0x1] =	wrdreg $0xFFFFFFFF  }
0xa7: {  	s28 =	simm.s32 $_size_execute0_lowered;
	s2 =	sadd.s32 s2, s4;
	[dreg:$0x0] =	wrdreg $0x0  }
0xa8: {  	s4 =	sshll.u32 s28, $0x1;
	[dreg:$0x2] =	wrdreg s2  }
0xa9: {  	[dreg:$0x3] =	wrdreg s4  }
0xaa: {  	[dreg:$0x4] =	wrdreg $0xC0  }
0xab: {  	_ =	task [dreg:s6], $0x5FFFF  }
0xac: {  	[dreg:$0x1] =	wrdreg $0xFFFFFFFF  }
0xad: {  	[dreg:$0x0] =	wrdreg $0x60  }
0xae: {  	[dreg:$0x2] =	wrdreg s24  }
0xaf: {  	[dreg:$0x3] =	wrdreg $0x0  }
0xb0: {  	[dreg:$0x4] =	wrdreg $0x9  }
0xb1: {  	_ =	task.clear_ibuf [dreg:s6], $0x5FFFF;
	_ =	strace $0x90000049  }
0xb2: {  	s29 =	simm.s32 $0x9;
	_ =	strace $0x8000004B  }
0xb3: {  	_ =	swait.ge [sflag:s29], $0x1  }
0xb4: {  	[sflag:s29] =	ssyncadd.s32 $0xFFFFFFFF  }
0xb5: {  	_ =	strace $0x9000004B  }
0xb6: {  	_ =	sfence  }
0xb7: {  	s30 =	sld [smem:$0x0];
	_ =	sdelay $0x2  }
0xb8: {  	s31 =	sshll.u32 s1, $0xD;
	s1 =	sshrl.u32 s1, $0x2  }
0xb9: {  	s3 =	sand.u32 $0x4000, s31;
	s1 =	sadd.s32 s1, s30  }
0xba: {  	s0 =	sor.u32 s3, s0;
	s1 =	sshll.u32 s1, $0x11  }
0xbb: {  	s0 =	sor.u32 s1, s0  }
0xbc: {  	s0 =	sadd.s32 $0x8F2B, s0  }
0xbd: {  	[sflag:s0] =	ssyncadd.remote.s32 $0x1  }
0xbe: {  	_ =	sfence.sel $0xFFFF  }
0xbf: {  	[dreg:$0x0] =	wrdreg $0xFFFFFFFF;
	(pc) =	sbr.abs _section_cstart, $3  }
0xc0: {  	[dreg:$0x1] =	wrdreg $0xFFFFFFFF  }
0xc1: {  	_ =	task.clear_ibuf [dreg:s6], $0x2FFFF;
	_ =	strace $0x9FFFFFFF  }
0xc2: {  	(tm) =	ssettm $0x7FFFFFFF  }
0xc3: {  	_ =	shalt  }
tec
execute0_lowered:
.L_overlay_start_1:
0x0: {  	(tag) =	ssettag $0x1  }
0x1: {  	s0 =	rddreg [dreg:$0x0]  }
0x2: {  	s2 =	rddreg [dreg:$0x1];
	s1 =	simm.s32 $0x0  }
0x3: {  	s7 =	srdreg.scid;
	s21 =	simm.s32 $0x13880;
	s22 =	simm.s32 $0x14C80  }
0x4: {  	s23 =	simm.s32 $0x5;
	s28 =	simm.s32 $0x13900;
	s29 =	simm.s32 $0x1A080  }
0x5: {  	s30 =	simm.s32 $0x1;
	s31 =	simm.s32 $0x2;
	[smem:$0x7FF] =	sst s1  }
0x6: {  	s1 =	stileid.u32;
	s4 =	sadd.s32 $0x40400, s0;
	s5 =	sadd.s32 $0x5200, s0  }
0x7: {  	s6 =	sadd.s32 $0xF200, s0;
	s15 =	sadd.s32 $0x67600, s0;
	s7 =	sand.u32 $0x1, s7  }
0x8: {  	s16 =	sadd.s32 $0x8E800, s0;
	_ =	strace $0x8000004A;
	s3 =	smul.u32 $0x2800, s1  }
0x9: {  	s8 =	ssub.s32 $0x2, s7;
	s9 =	sshll.u32 s7, $0x4;
	s12 =	smul.u32 $0x50000, s1  }
0xa: {  	p0 =	seq.s32 s1, $0xF;
	p3 =	sne.s32 s1, $0xF;
	[dreg:$0x3] =	wrdreg s15  }
0xb: {  	p4 =	seq.s32 s7, $0x0;
	p1 =	seq.s32 s7, $0x1;
	[dreg:$0x4] =	wrdreg s16  }
0xc: {  	s11 =	sshrl.u32 s8, $0x1;
	s9 =	sor.u32 s1, s9;
	p2 =	por !p4, !p3  }
0xd: {  	p4 =	por !p4, !p0;
	p5 =	por !p3, !p1;
	s10 =	sadd.s32 s3, s0  }
0xe: {  	s17 =	ssub.s32 s8, s11;
	s24 =	smul.u32 $0x2800, s9;
	s8 =	sadd.s32 $0x12C000, s2  }
0xf: {  	s25 =	sshrl.u32 s12, $0x2;
	s0 =	sadd.s32 $0x3EA00, s0;
	p2 =	por !p2, !p2  }
0x10: {  	s15 =	sadd.s32 s15, s3;
	p3 =	por !p4, !p4;
	p6 =	por !p5, !p5  }
0x11: {  	s16 =	sadd.s32 s16, s3;
	[dreg:$0x6] =	wrdreg s0;
	s9 =	sadd.s32 s25, s2  }
0x12: {  	s10 =	sadd.s32 $0x19200, s10;
	s17 =	smax.u32 s17, $0x1;
	s0 =	sshll.u32 @!p0 s1, $0x6  }
0x13: {  	[dreg:$0x5] =	wrdreg s8;
	s18 =	sshrl.u32 @p0 s8, $0x3;
	s25 =	simm.s32 $0x7D  }
.Ltmp0:
0x14: {  	p4 =	por !p6, p3;
	s26 =	sshrl.u32 s24, $0x3;
	(pc) =	sbr.rel .LBB2_1-.Ltmp0, $4  }
0x15: {  	s19 =	sor.u32 @!p0 $0x1C03, s0;
	s20 =	sshrl.u32 @!p0 s9, $0x3;
	s24 =	simm.s32 $0x4  }
0x16: {  	s0 =	simm.s32 $0x15F80;
	s11 =	sadd.s32 s5, s26;
	s14 =	sadd.s32 $0x280, s26  }
0x17: {  	s12 =	sadd.s32 s6, s26;
	s26 =	simm.s32 $0x16080;
	s13 =	sadd.s32 s5, s14  }
0x18: {  	s14 =	sadd.s32 s6, s14;
	s5 =	simm.s32 $0x16000;
	s6 =	simm.s32 $0x0  }
.LBB2_7:
0x19: {  	s6 =	sadd.s32 $0x1, s6  }
0x1a: {  	p5 =	sne.s32 s6, s17  }
.Ltmp1:
0x1b: {  	_ = 	snop;
	(pc) =	sbr.rel @!p5 .LBB2_8-.Ltmp1, $1  }
0x1c: {  	_ =	sdelay $0x3  }
.LBB2_1:
0x1d: {  	s3 =	simm.s32 @p0 $0x1FC3;
	s7 =	rddreg [dreg:$0x6]  }
0x1e: {  	[spmem:s18], [sflag:s3] =	dma.local @p0 [hbm:s7], $0x1900  }
0x1f: {  	s7 =	simm.s32 $0x0  }
0x20: {  	[spmem:s20], [sflag:s19] =	dma.local @!p0 [hbm:s10], $0x2800  }
0x21: {  	[tilespmem:s21], [sflag:$0x4] =	stream.linear.gather [hbm4b:s11+s7], $0x1400, $0x38;
	[tilespmem:$0x1E080] =	vst v63  }
0x22: {  	_ = 	snop  }
0x23: {  	[tilespmem:s22], [sflag:$0x5] =	stream.linear.gather [hbm4b:s12+s7], $0x1400, $0x38;
	[tilespmem:$0x1E080] =	vst v63  }
0x24: {  	_ =	swait.ge [sflag:s23], $0x1400  }
0x25: {  	[sflag:s23] =	ssyncset.done $0x0  }
0x26: {  	[sflag:s23] =	ssyncadd.s32 $0xFFFFEC00  }
0x27: {  	_ =	swait.ge [sflag:s24], $0x1400  }
0x28: {  	[sflag:s24] =	ssyncset.done $0x0  }
0x29: {  	[sflag:s24] =	ssyncadd.s32 $0xFFFFEC00  }
0x2a: {  	[tilespmem:s26], [sflag:$0x1] =	stream.indirect.gather [hbm4b:s4+s25], $0x80, s21, s25, $0xb8;
	[tilespmem:$0x1E080] =	vst v63  }
0x2b: {  	s3 =	simm.s32 @p0 $0x3  }
0x2c: {  	[tilespmem:s29], [sflag:$0x2] =	stream.indirect.gather [hbm4b:s4+s25], $0x80, s28, s25, $0xb8;
	[tilespmem:$0x1E080] =	vst v63  }
0x2d: {  	_ =	swait.ge @p0 [sflag:s3], $0x1900  }
0x2e: {  	[sflag:s3] =	ssyncset.done @p0 $0x0  }
0x2f: {  	[sflag:s3] =	ssyncadd.s32 @p0 $0xFFFFE700;
	s3 =	simm.s32 @!p0 $0x3  }
0x30: {  	_ =	swait.ge @!p0 [sflag:s3], $0x2800  }
0x31: {  	[sflag:s3] =	ssyncset.done @!p0 $0x0  }
0x32: {  	[sflag:s3] =	ssyncadd.s32 @!p0 $0xFFFFD800  }
0x33: {  	[bflag:$0x0] =	sbarrier.arrive $0xFFFF  }
0x34: {  	_ =	swait.ge [sflag:s30], $0x3E80  }
0x35: {  	[sflag:s30] =	ssyncset.done $0x0  }
0x36: {  	s8 =	simm.s32 $0x14C80;
	[sflag:s30] =	ssyncadd.s32 $0xFFFFC180  }
0x37: {  	[spmem:s2] =	stream.indirect.scatter.add.f32 [tilespmem:s26], [sflag:$0x5], $0x80, s8, s25, $0xb8;
	[tilespmem:$0x1E080] =	vst v63  }
0x38: {  	_ =	swait.ge [sflag:s23], $0x3E80  }
0x39: {  	[sflag:s23] =	ssyncset.done $0x0  }
0x3a: {  	s7 =	simm.s32 $0x13980;
	[sflag:s23] =	ssyncadd.s32 $0xFFFFC180  }
0x3b: {  	[tilespmem:s26], [sflag:$0x1] =	stream.indirect.gather [hbm4b:s4+s25], $0x80, s7, s25, $0xb8;
	[tilespmem:$0x1E080] =	vst v63  }
0x3c: {  	_ =	swait.ge [sflag:s31], $0x3E80  }
0x3d: {  	[sflag:s31] =	ssyncset.done $0x0  }
0x3e: {  	s8 =	simm.s32 $0x14D00;
	[sflag:s31] =	ssyncadd.s32 $0xFFFFC180  }
0x3f: {  	[spmem:s2] =	stream.indirect.scatter.add.f32 [tilespmem:s29], [sflag:$0x5], $0x80, s8, s25, $0xb8;
	[tilespmem:$0x1E080] =	vst v63  }
0x40: {  	_ =	swait.ge [sflag:s23], $0x3E80  }
0x41: {  	[sflag:s23] =	ssyncset.done $0x0  }
0x42: {  	s3 =	simm.s32 $0x13A00;
	s7 =	simm.s32 $0x400;
	[sflag:s23] =	ssyncadd.s32 $0xFFFFC180  }
.LBB2_2:
0x43: {  	[tilespmem:s29], [sflag:$0x2] =	stream.indirect.gather [hbm4b:s4+s25], $0x80, s3, s25, $0xb8;
	[tilespmem:$0x1E080] =	vst v63  }
0x44: {  	s3 =	smov.u32 s7  }
0x45: {  	p5 =	sne.s32 s7, $0x4800;
	s7 =	sadd.s32 $0x400, s7;
	_ =	swait.ge [sflag:s30], $0x3E80  }
0x46: {  	s3 =	sshra.s32 s3, $0x2;
	[sflag:s30] =	ssyncset.done $0x0  }
0x47: {  	s8 =	sadd.s32 $0x14C80, s3;
	[sflag:s30] =	ssyncadd.s32 $0xFFFFC180  }
0x48: {  	[spmem:s2] =	stream.indirect.scatter.add.f32 [tilespmem:s26], [sflag:$0x5], $0x80, s8, s25, $0xb8;
	[tilespmem:$0x1E080] =	vst v63  }
0x49: {  	_ =	swait.ge [sflag:s23], $0x3E80  }
0x4a: {  	[sflag:s23] =	ssyncset.done $0x0  }
0x4b: {  	s8 =	sadd.s32 $0x13980, s3;
	[sflag:s23] =	ssyncadd.s32 $0xFFFFC180  }
0x4c: {  	[tilespmem:s26], [sflag:$0x1] =	stream.indirect.gather [hbm4b:s4+s25], $0x80, s8, s25, $0xb8;
	[tilespmem:$0x1E080] =	vst v63  }
0x4d: {  	_ =	swait.ge [sflag:s31], $0x3E80  }
0x4e: {  	[sflag:s31] =	ssyncset.done $0x0  }
.Ltmp2:
0x4f: {  	s8 =	sadd.s32 $0x14D00, s3;
	[sflag:s31] =	ssyncadd.s32 $0xFFFFC180;
	(pc) =	sbr.rel @p5 .LBB2_2-.Ltmp2, $4  }
0x50: {  	[spmem:s2] =	stream.indirect.scatter.add.f32 [tilespmem:s29], [sflag:$0x5], $0x80, s8, s25, $0xb8;
	[tilespmem:$0x1E080] =	vst v63  }
0x51: {  	_ =	swait.ge [sflag:s23], $0x3E80  }
0x52: {  	[sflag:s23] =	ssyncset.done $0x0  }
0x53: {  	s3 =	sadd.s32 $0x13A00, s3;
	[sflag:s23] =	ssyncadd.s32 $0xFFFFC180  }
0x54: {  	[tilespmem:s29], [sflag:$0x2] =	stream.indirect.gather [hbm4b:s4+s25], $0x80, s3, s25, $0xb8;
	[tilespmem:$0x1E080] =	vst v63  }
0x55: {  	_ =	swait.ge [sflag:s30], $0x3E80  }
0x56: {  	[sflag:s30] =	ssyncset.done $0x0  }
0x57: {  	[sflag:s30] =	ssyncadd.s32 $0xFFFFC180  }
0x58: {  	[spmem:s2] =	stream.indirect.scatter.add.f32 [tilespmem:s26], [sflag:$0x5], $0x80, s0, s25, $0xb8;
	[tilespmem:$0x1E080] =	vst v63  }
0x59: {  	_ =	swait.ge [sflag:s23], $0x3E80  }
0x5a: {  	[sflag:s23] =	ssyncset.done $0x0  }
0x5b: {  	[sflag:s23] =	ssyncadd.s32 $0xFFFFC180  }
0x5c: {  	_ =	swait.ge [sflag:s31], $0x3E80  }
0x5d: {  	[sflag:s31] =	ssyncset.done $0x0  }
0x5e: {  	[sflag:s31] =	ssyncadd.s32 $0xFFFFC180  }
0x5f: {  	[spmem:s2] =	stream.indirect.scatter.add.f32 [tilespmem:s29], [sflag:$0x5], $0x80, s5, s25, $0xb8;
	[tilespmem:$0x1E080] =	vst v63  }
0x60: {  	_ =	swait.ge [sflag:s23], $0x3E80  }
0x61: {  	[sflag:s23] =	ssyncset.done $0x0  }
0x62: {  	s7 =	simm.s32 $0x0;
	[sflag:s23] =	ssyncadd.s32 $0xFFFFC180  }
0x63: {  	[tilespmem:s21], [sflag:$0x4] =	stream.linear.gather [hbm4b:s13+s7], $0x1400, $0x38;
	[tilespmem:$0x1E080] =	vst v63  }
0x64: {  	_ = 	snop  }
0x65: {  	[tilespmem:s22], [sflag:$0x5] =	stream.linear.gather [hbm4b:s14+s7], $0x1400, $0x38;
	[tilespmem:$0x1E080] =	vst v63  }
0x66: {  	_ =	swait.ge [sflag:s23], $0x1400  }
0x67: {  	[sflag:s23] =	ssyncset.done $0x0  }
0x68: {  	[sflag:s23] =	ssyncadd.s32 $0xFFFFEC00  }
0x69: {  	_ =	swait.ge [sflag:s24], $0x1400  }
0x6a: {  	[sflag:s24] =	ssyncset.done $0x0  }
0x6b: {  	[sflag:s24] =	ssyncadd.s32 $0xFFFFEC00  }
0x6c: {  	[tilespmem:s26], [sflag:$0x1] =	stream.indirect.gather [hbm4b:s4+s25], $0x80, s21, s25, $0xb8;
	[tilespmem:$0x1E080] =	vst v63  }
0x6d: {  	_ = 	snop  }
0x6e: {  	[tilespmem:s29], [sflag:$0x2] =	stream.indirect.gather [hbm4b:s4+s25], $0x80, s28, s25, $0xb8;
	[tilespmem:$0x1E080] =	vst v63  }
0x6f: {  	_ =	swait.ge [sflag:s30], $0x3E80  }
0x70: {  	[sflag:s30] =	ssyncset.done $0x0  }
0x71: {  	s8 =	simm.s32 $0x14C80;
	[sflag:s30] =	ssyncadd.s32 $0xFFFFC180  }
0x72: {  	[spmem:s2] =	stream.indirect.scatter.add.f32 [tilespmem:s26], [sflag:$0x5], $0x80, s8, s25, $0xb8;
	[tilespmem:$0x1E080] =	vst v63  }
0x73: {  	_ =	swait.ge [sflag:s23], $0x3E80  }
0x74: {  	[sflag:s23] =	ssyncset.done $0x0  }
0x75: {  	s7 =	simm.s32 $0x13980;
	[sflag:s23] =	ssyncadd.s32 $0xFFFFC180  }
0x76: {  	[tilespmem:s26], [sflag:$0x1] =	stream.indirect.gather [hbm4b:s4+s25], $0x80, s7, s25, $0xb8;
	[tilespmem:$0x1E080] =	vst v63  }
0x77: {  	_ =	swait.ge [sflag:s31], $0x3E80  }
0x78: {  	[sflag:s31] =	ssyncset.done $0x0  }
0x79: {  	s8 =	simm.s32 $0x14D00;
	[sflag:s31] =	ssyncadd.s32 $0xFFFFC180  }
0x7a: {  	[spmem:s2] =	stream.indirect.scatter.add.f32 [tilespmem:s29], [sflag:$0x5], $0x80, s8, s25, $0xb8;
	[tilespmem:$0x1E080] =	vst v63  }
0x7b: {  	_ =	swait.ge [sflag:s23], $0x3E80  }
0x7c: {  	[sflag:s23] =	ssyncset.done $0x0  }
0x7d: {  	s3 =	simm.s32 $0x13A00;
	s7 =	simm.s32 $0x400;
	[sflag:s23] =	ssyncadd.s32 $0xFFFFC180  }
.LBB2_4:
0x7e: {  	[tilespmem:s29], [sflag:$0x2] =	stream.indirect.gather [hbm4b:s4+s25], $0x80, s3, s25, $0xb8;
	[tilespmem:$0x1E080] =	vst v63  }
0x7f: {  	s3 =	smov.u32 s7  }
0x80: {  	p5 =	sne.s32 s7, $0x4800;
	s7 =	sadd.s32 $0x400, s7;
	_ =	swait.ge [sflag:s30], $0x3E80  }
0x81: {  	s3 =	sshra.s32 s3, $0x2;
	[sflag:s30] =	ssyncset.done $0x0  }
0x82: {  	s8 =	sadd.s32 $0x14C80, s3;
	[sflag:s30] =	ssyncadd.s32 $0xFFFFC180  }
0x83: {  	[spmem:s2] =	stream.indirect.scatter.add.f32 [tilespmem:s26], [sflag:$0x5], $0x80, s8, s25, $0xb8;
	[tilespmem:$0x1E080] =	vst v63  }
0x84: {  	_ =	swait.ge [sflag:s23], $0x3E80  }
0x85: {  	[sflag:s23] =	ssyncset.done $0x0  }
0x86: {  	s8 =	sadd.s32 $0x13980, s3;
	[sflag:s23] =	ssyncadd.s32 $0xFFFFC180  }
0x87: {  	[tilespmem:s26], [sflag:$0x1] =	stream.indirect.gather [hbm4b:s4+s25], $0x80, s8, s25, $0xb8;
	[tilespmem:$0x1E080] =	vst v63  }
0x88: {  	_ =	swait.ge [sflag:s31], $0x3E80  }
0x89: {  	[sflag:s31] =	ssyncset.done $0x0  }
.Ltmp3:
0x8a: {  	s8 =	sadd.s32 $0x14D00, s3;
	[sflag:s31] =	ssyncadd.s32 $0xFFFFC180;
	(pc) =	sbr.rel @p5 .LBB2_4-.Ltmp3, $4  }
0x8b: {  	[spmem:s2] =	stream.indirect.scatter.add.f32 [tilespmem:s29], [sflag:$0x5], $0x80, s8, s25, $0xb8;
	[tilespmem:$0x1E080] =	vst v63  }
0x8c: {  	_ =	swait.ge [sflag:s23], $0x3E80  }
0x8d: {  	[sflag:s23] =	ssyncset.done $0x0  }
0x8e: {  	s3 =	sadd.s32 $0x13A00, s3;
	[sflag:s23] =	ssyncadd.s32 $0xFFFFC180  }
0x8f: {  	[tilespmem:s29], [sflag:$0x2] =	stream.indirect.gather [hbm4b:s4+s25], $0x80, s3, s25, $0xb8;
	[tilespmem:$0x1E080] =	vst v63  }
0x90: {  	_ =	swait.ge [sflag:s30], $0x3E80  }
0x91: {  	[sflag:s30] =	ssyncset.done $0x0  }
0x92: {  	[sflag:s30] =	ssyncadd.s32 $0xFFFFC180  }
0x93: {  	[spmem:s2] =	stream.indirect.scatter.add.f32 [tilespmem:s26], [sflag:$0x5], $0x80, s0, s25, $0xb8;
	[tilespmem:$0x1E080] =	vst v63  }
0x94: {  	_ =	swait.ge [sflag:s23], $0x3E80  }
0x95: {  	[sflag:s23] =	ssyncset.done $0x0  }
0x96: {  	[sflag:s23] =	ssyncadd.s32 $0xFFFFC180  }
0x97: {  	_ =	swait.ge [sflag:s31], $0x3E80  }
0x98: {  	[sflag:s31] =	ssyncset.done $0x0  }
0x99: {  	[sflag:s31] =	ssyncadd.s32 $0xFFFFC180  }
0x9a: {  	[spmem:s2] =	stream.indirect.scatter.add.f32 [tilespmem:s29], [sflag:$0x5], $0x80, s5, s25, $0xb8;
	[tilespmem:$0x1E080] =	vst v63  }
0x9b: {  	_ =	swait.ge [sflag:s23], $0x3E80  }
0x9c: {  	s3 =	sshll.u32 @p2 s1, $0x6;
	s7 =	sshrl.u32 @p2 s9, $0x3;
	[sflag:s23] =	ssyncset.done $0x0  }
0x9d: {  	p5 =	por @!p4 $0x1, $0x1;
	p6 =	por p1, p1;
	[sflag:s23] =	ssyncadd.s32 $0xFFFFC180  }
0x9e: {  	s3 =	sor.u32 @p2 $0x1C05, s3;
	p6 =	por @!p4 p5, p5;
	[bflag:$0x0] =	sbarrier.arrive $0xFFFF  }
0x9f: {  	[hbm:s15], [sflag:s3] =	dma.local @p2 [spmem:s7], $0x2800  }
0xa0: {  	p5 =	por @!p3 !p6, !p0;
	s3 =	simm.s32 @p2 $0x5  }
0xa1: {  	p5 =	por @!p3 !p5, !p5;
	_ =	swait.ge @p2 [sflag:s3], $0x2800  }
0xa2: {  	p5 =	por p3, p5;
	s7 =	sshll.u32 @!p4 s1, $0x6;
	[sflag:s3] =	ssyncset.done @p2 $0x0  }
0xa3: {  	[sflag:s3] =	ssyncadd.s32 @p2 $0xFFFFD800;
	s3 =	sor.u32 @!p4 $0x1C05, s7;
	s7 =	sshrl.u32 @!p4 s9, $0x3  }
0xa4: {  	[hbm:s16], [sflag:s3] =	dma.local @!p4 [spmem:s7], $0x2800  }
.Ltmp4:
0xa5: {  	_ = 	snop;
	(pc) =	sbr.rel @!p5 .LBB2_7-.Ltmp4, $4  }
0xa6: {  	s3 =	simm.s32 @!p4 $0x5  }
0xa7: {  	_ =	swait.ge @!p4 [sflag:s3], $0x2800  }
0xa8: {  	[sflag:s3] =	ssyncset.done @!p4 $0x0  }
0xa9: {  	[sflag:s3] =	ssyncadd.s32 @!p4 $0xFFFFD800  }
0xaa: {  	s3 =	rddreg [dreg:$0x4]  }
0xab: {  	s7 =	rddreg [dreg:$0x3]  }
0xac: {  	s8 =	rddreg [dreg:$0x5]  }
0xad: {  	s3 =	smov.u32 @p3 s7;
	s7 =	sshrl.u32 s8, $0x3  }
.Ltmp5:
0xae: {  	s8 =	simm.s32 $0x1FC5;
	s3 =	sadd.s32 $0x25800, s3;
	(pc) =	sbr.rel .LBB2_7-.Ltmp5, $4  }
0xaf: {  	[hbm:s3], [sflag:s8] =	dma.local [spmem:s7], $0x1900  }
0xb0: {  	_ =	swait.ge [sflag:s23], $0x1900  }
0xb1: {  	[sflag:s23] =	ssyncset.done $0x0  }
0xb2: {  	[sflag:s23] =	ssyncadd.s32 $0xFFFFE700  }
.LBB2_8:
0xb3: {  	_ =	sfence.sel $0x180000  }
0xb4: {  	[bflag:$0x0] =	sbarrier.arrive $0xFFFF  }
0xb5: {  	_ =	strace $0x9000004A  }
0xb6: {  	[bflag:$0x2] =	sbarrier.arrive $0xFFFF  }
0xb7: {  	p0 =	sne.s32 s1, $0x0;
	s0 =	rddreg [dreg:$0x2]  }
0xb8: {  	s0 =	sadd.s32 @!p0 $0x100000, s0  }
0xb9: {  	[sflag:s0] =	ssyncadd.tile.s32 @!p0 $0x1;
	_ =	shalt  }
.Lfunc_end2:
_tile_overlayer_lowered:
.L_overlay_start_2:
0xba: {  	(tag) =	ssettag $0x2  }
0xbb: {  	s0 =	rddreg [dreg:$0x0];
	s2 =	stileid.u32  }
0xbc: {  	s1 =	rddreg [dreg:$0x1];
	p0 =	sne.s32 s2, $0x0  }
0xbd: {  	s3 =	rddreg [dreg:$0x2];
	[bflag:$0x3] =	sbarrier.arrive $0xFFFF;
	s2 =	simm.s32 @!p0 $0x1C05  }
0xbe: {  	[timem:s3], [sflag:s2] =	dma.local @!p0 [hbm:s0], s1  }
0xbf: {  	s0 =	simm.s32 @!p0 $0x5  }
0xc0: {  	_ =	swait.ge @!p0 [sflag:s0], s1  }
0xc1: {  	s1 =	ssub.s32 @!p0 $0x0, s1;
	[sflag:s0] =	ssyncset.done @!p0 $0x0  }
0xc2: {  	[sflag:s0] =	ssyncadd.s32 @!p0 s1  }
0xc3: {  	[bflag:$0x3] =	sbarrier.arrive $0xFFFF  }
0xc4: {  	_ =	shalt  }

</sc_bundles>
